<compile_context>
chip_gen: v7x
topology: tpu7x:2x2x1
jax: 0.10.2.dev20260603
libtpu: 0.0.44.dev20260713+nightly
codegen_flags: <defaults>
</compile_context>

<pallas_src>
import jax
import jax.numpy as jnp
from jax import lax
from jax.experimental import pallas as pl
from jax.experimental.pallas import tpu as pltpu
from jax.experimental.pallas import tpu_sc as plsc

B, H, N, M = 4, 16, 8192, 32
_NB = 1024
_L = 16
_NV = N // _L
_ROWS = B * H
_NW = 32
_NBUCK = 2048


def _sc_body(imp_hbm, thr_hbm, out_hbm, key_a, idx_a, key_b, idx_b,
             thr_v, out_v, hist0, hist1):
    nc = 2
    wid = lax.axis_index("s") * nc + lax.axis_index("c")
    h = wid % 16
    pltpu.sync_copy(thr_hbm.at[pl.ds(h * N, N)], thr_v)
    iota = lax.broadcasted_iota(jnp.int32, (_L,), 0)
    zero16 = jnp.zeros((_L,), jnp.int32)
    minint = jnp.int32(-2**31)
    neg1 = jnp.int32(-1)

    def _hist_add(hist, d):
        cnt, last = plsc.scan_count(d)
        plsc.addupdate_scatter(hist, [d], cnt, mask=last)

    def _zero(hist, nbuck):
        def zr(j, _):
            hist[pl.ds(j * _L, _L)] = zero16
            return 0
        lax.fori_loop(0, nbuck // _L, zr, 0)

    def _excl_scan(hist, nbuck):
        def pb(j, carry):
            h16 = hist[pl.ds(j * _L, _L)]
            c = plsc.cumsum(h16)
            hist[pl.ds(j * _L, _L)] = c - h16 + carry
            return carry + jnp.sum(h16)
        lax.fori_loop(0, nbuck // _L, pb, jnp.int32(0))

    for r in range(2):
        row = wid + r * _NW
        pltpu.sync_copy(imp_hbm.at[pl.ds(row * N, N)], key_a)
        _zero(hist0, 2048)

        def prep(i, _):
            for u2 in range(2):
                o = (2 * i + u2) * _L
                u = key_a[pl.ds(o, _L)]
                m = lax.shift_right_arithmetic(u, 31)
                k = u ^ (m | minint) ^ neg1
                key_a[pl.ds(o, _L)] = k
                _hist_add(hist0, k & 0x7FF)
            return 0

        lax.fori_loop(0, _NV // 2, prep, 0)
        _zero(hist1, 2048)
        _excl_scan(hist0, 2048)

        def c0(i, _):
            for u2 in range(2):
                o = (2 * i + u2) * _L
                k = key_a[pl.ds(o, _L)]
                ix = o + iota
                d = k & 0x7FF
                cnt, last = plsc.scan_count(d)
                base = plsc.load_gather(hist0, [d])
                pos = base + cnt - 1
                plsc.store_scatter(key_b, [pos], k)
                plsc.store_scatter(idx_b, [pos], ix)
                plsc.addupdate_scatter(hist0, [d], cnt, mask=last)
                _hist_add(hist1, lax.shift_right_logical(k, 11) & 0x7FF)
            return 0

        lax.fori_loop(0, _NV // 2, c0, 0)
        _zero(hist0, 1024)
        _excl_scan(hist1, 2048)

        def c1(i, _):
            for u2 in range(2):
                o = (2 * i + u2) * _L
                k = key_b[pl.ds(o, _L)]
                ix = idx_b[pl.ds(o, _L)]
                d = lax.shift_right_logical(k, 11) & 0x7FF
                cnt, last = plsc.scan_count(d)
                base = plsc.load_gather(hist1, [d])
                pos = base + cnt - 1
                plsc.store_scatter(key_a, [pos], k)
                plsc.store_scatter(idx_a, [pos], ix)
                plsc.addupdate_scatter(hist1, [d], cnt, mask=last)
                _hist_add(hist0, lax.shift_right_logical(k, 22) & 0x3FF)
            return 0

        lax.fori_loop(0, _NV // 2, c1, 0)
        _excl_scan(hist0, 1024)

        def c2(i, _):
            for u2 in range(2):
                o = (2 * i + u2) * _L
                k = key_a[pl.ds(o, _L)]
                ix = idx_a[pl.ds(o, _L)]
                d = lax.shift_right_logical(k, 22) & 0x3FF
                cnt, last = plsc.scan_count(d)
                base = plsc.load_gather(hist0, [d])
                pos = base + cnt - 1
                t = plsc.load_gather(thr_v, [pos])
                plsc.store_scatter(out_v, [ix], t)
                plsc.addupdate_scatter(hist0, [d], cnt, mask=last)
            return 0

        lax.fori_loop(0, _NV // 2, c2, 0)
        pltpu.sync_copy(out_v, out_hbm.at[pl.ds(row * N, N)])


def _sc_sorted_threshold(imp_flat, sim_threshold):
    mesh = plsc.VectorSubcoreMesh(core_axis_name="c", subcore_axis_name="s")
    f = pl.kernel(
        _sc_body,
        mesh=mesh,
        compiler_params=pltpu.CompilerParams(needs_layout_passes=False),
        out_type=jax.ShapeDtypeStruct((_ROWS * N,), jnp.float32),
        scratch_types=[
            pltpu.VMEM((N,), jnp.int32),
            pltpu.VMEM((N,), jnp.int32),
            pltpu.VMEM((N,), jnp.int32),
            pltpu.VMEM((N,), jnp.int32),
            pltpu.VMEM((N,), jnp.float32),
            pltpu.VMEM((N,), jnp.float32),
            pltpu.VMEM((_NBUCK,), jnp.int32),
            pltpu.VMEM((_NBUCK,), jnp.int32),
        ],
    )
    return f(lax.bitcast_convert_type(imp_flat.reshape(-1), jnp.int32),
             sim_threshold.reshape(-1))


def _dense_body(sim_ref, st_ref, w_ref, s_ref, i_ref):
    acc = None
    for h in range(H):
        diff = sim_ref[0, h] - st_ref[0, h][None, :]
        diff = diff.astype(jnp.bfloat16).astype(jnp.float32)
        term = diff * w_ref[0, h]
        acc = term if acc is None else acc + term
    s_ref[0, 0, :] = 10.0 * jnp.tanh(jnp.max(acc, axis=0))
    i_ref[0, 0, :] = jnp.argmax(acc, axis=0).astype(jnp.int32)


def _dense_call(similarity, st, linear_w):
    nblk = N // _NB
    sim_t = jnp.swapaxes(similarity, 2, 3)
    s, i = pl.pallas_call(
        _dense_body,
        grid=(B, nblk),
        in_specs=[
            pl.BlockSpec((1, H, M, _NB), lambda b, n: (b, 0, 0, n)),
            pl.BlockSpec((1, H, _NB), lambda b, n: (b, 0, n)),
            pl.BlockSpec(memory_space=pltpu.SMEM),
        ],
        out_specs=[
            pl.BlockSpec((1, 1, _NB), lambda b, n: (b * nblk + n, 0, 0)),
            pl.BlockSpec((1, 1, _NB), lambda b, n: (b * nblk + n, 0, 0)),
        ],
        out_shape=[
            jax.ShapeDtypeStruct((B * nblk, 1, _NB), jnp.float32),
            jax.ShapeDtypeStruct((B * nblk, 1, _NB), jnp.int32),
        ],
    )(sim_t, st, _round_to_bf16(linear_w))
    return s.reshape(B, N), i.reshape(B, N)


def _round_to_bf16(x):
    u = lax.bitcast_convert_type(x, jnp.uint32)
    r = (u + jnp.uint32(0x7FFF) + ((u >> 16) & jnp.uint32(1))) & jnp.uint32(0xFFFF0000)
    return lax.bitcast_convert_type(r, jnp.float32)


def _sorted_threshold(importance, sim_threshold):
    st = _sc_sorted_threshold(importance.reshape(_ROWS, N), sim_threshold)
    return st.reshape(B, H, N)


def kernel(importance, similarity, compressed_map, sim_threshold, linear_w):
    del compressed_map
    st = _sorted_threshold(importance, sim_threshold)
    score, idx = _dense_call(similarity, st, linear_w)
    return score[..., None], idx, st[..., None]

# --- scband reference (transcript-rebuilt; emitter-appended) ---
"""Pipeline reference for scband-headwise-threshold-37383395344632 (READ-ONLY COPY).

The authoritative reference and input builder live on the scoring server;
editing this copy changes nothing except your own understanding.
"""

import jax, jax.numpy as jnp
import numpy as np

B, H, N, M = 4, 16, 8192, 32


def setup_inputs(seed: int = 0) -> dict:
    key = jax.random.key(seed)
    k1, k2, k3, k4 = jax.random.split(key, 4)
    importance = jax.random.normal(k1, (B, H, N), dtype=jnp.float32)
    similarity = jax.random.normal(k2, (B, H, N, M), dtype=jnp.float32)
    compressed_map = jnp.zeros((B, H, N), dtype=jnp.float32)
    # learned params: sim_threshold (num_heads, kept_num), linear weight (1, num_heads)
    sim_threshold = jax.random.normal(k3, (H, N), dtype=jnp.float32) * 0.02
    linear_w = jax.random.uniform(k4, (1, H), dtype=jnp.float32, minval=0.0, maxval=1.0 / H)
    return {"importance": importance, "similarity": similarity,
            "compressed_map": compressed_map, "sim_threshold": sim_threshold,
            "linear_w": linear_w}


def reference(importance, similarity, compressed_map, sim_threshold, linear_w):
    # disable_monotonicity=True, threshold_act='' -> get_monotonic_threshold is identity
    threshold = sim_threshold
    # torch.argsort(importance, dim=-1, descending=True)
    imp_order = jnp.argsort(-importance, axis=-1)
    # rank = torch.argsort(imp_order, dim=-1, descending=False)
    rank = jnp.argsort(imp_order, axis=-1)
    Bd, Hd, Nd = rank.shape
    thr = jnp.broadcast_to(threshold[None, :, :], (Bd, Hd, Nd))
    sorted_threshold = jnp.take_along_axis(thr, rank, axis=-1)
    # use_compressed_info=False -> no subtraction of compressed_map
    sorted_threshold = sorted_threshold[..., None]            # [B,H,N,1]
    sim_diff = similarity - sorted_threshold                  # [B,H,N,M]
    sim_diff = jnp.swapaxes(sim_diff, 1, -1)                  # [B,M,N,H]
    reuse_decision = jnp.einsum('bmnh,oh->bmno', sim_diff, linear_w)  # [B,M,N,1]
    reuse_decision = 10.0 * jnp.tanh(reuse_decision)
    scores = reuse_decision[..., 0]                           # [B,M,N]
    most_similar_score = jnp.max(scores, axis=1)[..., None]   # [B,N,1]
    most_similar_idx = jnp.argmax(scores, axis=1)             # [B,N]
    return most_similar_score, most_similar_idx, sorted_threshold

if __name__ == "__main__":
    import jax
    _d = setup_inputs()
    print(jax.jit(kernel)(*tuple(_d.values())))

</pallas_src>

<mosaic_0001>
#map = affine_map<(d0, d1) -> (0)>
module attributes {stable_mosaic.version = 14 : i64} {
  func.func @_sc_body(%arg0: i32, %arg1: i32, %arg2: memref<524288xi32, #tpu.memory_space<hbm>>, %arg3: memref<131072xf32, #tpu.memory_space<hbm>>, %arg4: memref<524288xf32, #tpu.memory_space<hbm>>, %arg5: memref<8192xi32, #tpu.memory_space<vmem>>, %arg6: memref<8192xi32, #tpu.memory_space<vmem>>, %arg7: memref<8192xi32, #tpu.memory_space<vmem>>, %arg8: memref<8192xi32, #tpu.memory_space<vmem>>, %arg9: memref<8192xf32, #tpu.memory_space<vmem>>, %arg10: memref<8192xf32, #tpu.memory_space<vmem>>, %arg11: memref<2048xi32, #tpu.memory_space<vmem>>, %arg12: memref<2048xi32, #tpu.memory_space<vmem>>) attributes {dimension_semantics = [#tpu.dimension_semantics<core_parallel>, #tpu.dimension_semantics<subcore_parallel>], iteration_bounds = array<i64: 2, 16>, scalar_prefetch = 0 : i64, scratch_operands = 8 : i64, tpu.core_type = #tpu.core_type<sc_vector_subcore>, window_params = [{transform_indices = #map}, {transform_indices = #map}, {transform_indices = #map}]} {
    %mul3A = arith.constant 2 : i32
    %mul3A_0 = arith.muli %arg1, %mul3A : i32
    %add3A = arith.addi %mul3A_0, %arg0 : i32
    %jit3A = arith.constant 16 : i32
    %eq3A = arith.constant 0 : i32
    %eq3A_1 = arith.cmpi eq, %jit3A, %eq3A : i32
    %jit3A_2 = arith.constant 1 : i32
    %select_n3A = arith.select %eq3A_1, %jit3A_2, %jit3A : i32
    %rem3A = arith.remsi %add3A, %select_n3A : i32
    %ne3A = arith.constant 0 : i32
    %ne3A_3 = arith.cmpi ne, %rem3A, %ne3A : i32
    %lt3A = arith.constant 0 : i32
    %lt3A_4 = arith.cmpi slt, %rem3A, %lt3A : i32
    %lt3A_5 = arith.constant 0 : i32
    %lt3A_6 = arith.cmpi slt, %select_n3A, %lt3A_5 : i32
    %ne3A_7 = arith.xori %lt3A_4, %lt3A_6 : i1
    %and3A = arith.andi %ne3A_7, %ne3A_3 : i1
    %add3A_8 = arith.addi %rem3A, %select_n3A : i32
    %select_n3A_9 = arith.select %and3A, %add3A_8, %rem3A : i32
    %mul3A_10 = arith.constant 8192 : i32
    %mul3A_11 = arith.muli %select_n3A_9, %mul3A_10 : i32
    "tpu.region"() ({
      %run_scoped3A = tpu.sem_alloc : memref<!tpu.dma_semaphore, #tpu.memory_space<semaphore_mem>>
      %dma_start3A = tpu.memref_slice %arg3[%mul3A_11] : memref<131072xf32, #tpu.memory_space<hbm>> -> memref<8192xf32, #tpu.memory_space<hbm>>
      %dma_start3A_168 = tpu.memref_slice %arg3[%mul3A_11] : memref<131072xf32, #tpu.memory_space<hbm>> -> memref<8192xf32, #tpu.memory_space<hbm>>
      tpu.enqueue_dma source(%dma_start3A_168 : memref<8192xf32, #tpu.memory_space<hbm>>) target(%arg9 : memref<8192xf32, #tpu.memory_space<vmem>>) target_semaphore(%run_scoped3A : memref<!tpu.dma_semaphore, #tpu.memory_space<semaphore_mem>>)
      %dma_wait3A = tpu.memref_slice %arg3[%mul3A_11] : memref<131072xf32, #tpu.memory_space<hbm>> -> memref<8192xf32, #tpu.memory_space<hbm>>
      %dma_wait3A_169 = tpu.memref_slice %arg3[%mul3A_11] : memref<131072xf32, #tpu.memory_space<hbm>> -> memref<8192xf32, #tpu.memory_space<hbm>>
      tpu.wait_dma2 semaphore(%run_scoped3A : memref<!tpu.dma_semaphore, #tpu.memory_space<semaphore_mem>>) src(%dma_wait3A_169 : memref<8192xf32, #tpu.memory_space<hbm>>) dst(%arg9 : memref<8192xf32, #tpu.memory_space<vmem>>)
      tpu.yield
    }) : () -> ()
    %iota3A = tpu.iota {dimensions = array<i32: 0>} : vector<16xi32>
    %broadcast_in_dim3A = arith.constant 0 : i32
    %broadcast_in_dim3A_12 = vector.broadcast %broadcast_in_dim3A : i32 to vector<16xi32>
    %add3A_13 = arith.constant 0 : i32
    %add3A_14 = arith.addi %add3A, %add3A_13 : i32
    %mul3A_15 = arith.constant 8192 : i32
    %mul3A_16 = arith.muli %add3A_14, %mul3A_15 : i32
    "tpu.region"() ({
      %run_scoped3A = tpu.sem_alloc : memref<!tpu.dma_semaphore, #tpu.memory_space<semaphore_mem>>
      %dma_start3A = tpu.memref_slice %arg2[%mul3A_16] : memref<524288xi32, #tpu.memory_space<hbm>> -> memref<8192xi32, #tpu.memory_space<hbm>>
      %dma_start3A_168 = tpu.memref_slice %arg2[%mul3A_16] : memref<524288xi32, #tpu.memory_space<hbm>> -> memref<8192xi32, #tpu.memory_space<hbm>>
      tpu.enqueue_dma source(%dma_start3A_168 : memref<8192xi32, #tpu.memory_space<hbm>>) target(%arg5 : memref<8192xi32, #tpu.memory_space<vmem>>) target_semaphore(%run_scoped3A : memref<!tpu.dma_semaphore, #tpu.memory_space<semaphore_mem>>)
      %dma_wait3A = tpu.memref_slice %arg2[%mul3A_16] : memref<524288xi32, #tpu.memory_space<hbm>> -> memref<8192xi32, #tpu.memory_space<hbm>>
      %dma_wait3A_169 = tpu.memref_slice %arg2[%mul3A_16] : memref<524288xi32, #tpu.memory_space<hbm>> -> memref<8192xi32, #tpu.memory_space<hbm>>
      tpu.wait_dma2 semaphore(%run_scoped3A : memref<!tpu.dma_semaphore, #tpu.memory_space<semaphore_mem>>) src(%dma_wait3A_169 : memref<8192xi32, #tpu.memory_space<hbm>>) dst(%arg5 : memref<8192xi32, #tpu.memory_space<vmem>>)
      tpu.yield
    }) : () -> ()
    %scan3A = arith.constant 0 : i32
    %scan3A_17 = arith.constant 0 : i32
    %scan3A_18 = arith.constant 128 : i32
    %scan3A_19 = arith.addi %scan3A_17, %scan3A_18 : i32
    %scan3A_20 = arith.constant 1 : i32
    %scan3A_21 = scf.for %scan3A_168 = %scan3A_17 to %scan3A_19 step %scan3A_20 iter_args(%scan3A_169 = %scan3A) -> (i32)  : i32 {
      %mul3A_170 = arith.constant 16 : i32
      %mul3A_171 = arith.muli %scan3A_168, %mul3A_170 : i32
      %swap3A = arith.index_cast %mul3A_171 : i32 to index
      %swap3A_172 = tpu.vector_load %arg11[%swap3A] {strides = array<i32>} : memref<2048xi32, #tpu.memory_space<vmem>>, vector<16xi32>,
      tpu.vector_store %arg11[%swap3A], %broadcast_in_dim3A_12 {strides = array<i32>} : memref<2048xi32, #tpu.memory_space<vmem>>, vector<16xi32>,
      %scan3A_173 = arith.constant 0 : i32
      scf.yield %scan3A_173 : i32
    }
    %scan3A_22 = arith.constant 128 : i32
    %scan3A_23 = arith.constant -2147483648 : i32
    %scan3A_24 = arith.constant -1 : i32
    %scan3A_25 = arith.constant 0 : i32
    %scan3A_26 = arith.constant 0 : i32
    %scan3A_27 = arith.constant 256 : i32
    %scan3A_28 = arith.addi %scan3A_26, %scan3A_27 : i32
    %scan3A_29 = arith.constant 1 : i32
    %scan3A_30 = scf.for %scan3A_168 = %scan3A_26 to %scan3A_28 step %scan3A_29 iter_args(%scan3A_169 = %scan3A_25) -> (i32)  : i32 {
      %mul3A_170 = arith.constant 2 : i32
      %mul3A_171 = arith.muli %mul3A_170, %scan3A_168 : i32
      %add3A_172 = arith.constant 0 : i32
      %add3A_173 = arith.addi %mul3A_171, %add3A_172 : i32
      %mul3A_174 = arith.constant 16 : i32
      %mul3A_175 = arith.muli %add3A_173, %mul3A_174 : i32
      %get3A = arith.index_cast %mul3A_175 : i32 to index
      %get3A_176 = tpu.vector_load %arg5[%get3A] {strides = array<i32>} : memref<8192xi32, #tpu.memory_space<vmem>>, vector<16xi32>,
      %shift_right_arithmetic3A = arith.constant 31 : i32
      %shift_right_arithmetic3A_177 = vector.broadcast %shift_right_arithmetic3A : i32 to vector<16xi32>
      %shift_right_arithmetic3A_178 = arith.shrsi %get3A_176, %shift_right_arithmetic3A_177 : vector<16xi32>
      %or3A = vector.broadcast %scan3A_23 : i32 to vector<16xi32>
      %or3A_179 = arith.ori %shift_right_arithmetic3A_178, %or3A : vector<16xi32>
      %xor3A = arith.xori %get3A_176, %or3A_179 : vector<16xi32>
      %xor3A_180 = vector.broadcast %scan3A_24 : i32 to vector<16xi32>
      %xor3A_181 = arith.xori %xor3A, %xor3A_180 : vector<16xi32>
      %swap3A = arith.index_cast %mul3A_175 : i32 to index
      %swap3A_182 = tpu.vector_load %arg5[%swap3A] {strides = array<i32>} : memref<8192xi32, #tpu.memory_space<vmem>>, vector<16xi32>,
      tpu.vector_store %arg5[%swap3A], %xor3A_181 {strides = array<i32>} : memref<8192xi32, #tpu.memory_space<vmem>>, vector<16xi32>,
      %and3A_183 = arith.constant 2047 : i32
      %and3A_184 = vector.broadcast %and3A_183 : i32 to vector<16xi32>
      %and3A_185 = arith.andi %xor3A_181, %and3A_184 : vector<16xi32>
      %broadcast_in_dim3A_186 = arith.constant true
      %broadcast_in_dim3A_187 = vector.broadcast %broadcast_in_dim3A_186 : i1 to vector<16xi1>
      %unique3A, %unique3A_188 = tpu.scan_count mask(%broadcast_in_dim3A_187 : vector<16xi1>) value(%and3A_185 : vector<16xi32>) : vector<16xi1>, vector<16xi32>
      tpu.vector_store_idx %arg11[%and3A_185], %unique3A_188 masked %unique3A {add = true} : memref<2048xi32, #tpu.memory_space<vmem>>[vector<16xi32>], vector<16xi32>, vector<16xi1>
      %mul3A_189 = arith.constant 2 : i32
      %mul3A_190 = arith.muli %mul3A_189, %scan3A_168 : i32
      %add3A_191 = arith.constant 1 : i32
      %add3A_192 = arith.addi %mul3A_190, %add3A_191 : i32
      %mul3A_193 = arith.constant 16 : i32
      %mul3A_194 = arith.muli %add3A_192, %mul3A_193 : i32
      %get3A_195 = arith.index_cast %mul3A_194 : i32 to index
      %get3A_196 = tpu.vector_load %arg5[%get3A_195] {strides = array<i32>} : memref<8192xi32, #tpu.memory_space<vmem>>, vector<16xi32>,
      %shift_right_arithmetic3A_197 = arith.constant 31 : i32
      %shift_right_arithmetic3A_198 = vector.broadcast %shift_right_arithmetic3A_197 : i32 to vector<16xi32>
      %shift_right_arithmetic3A_199 = arith.shrsi %get3A_196, %shift_right_arithmetic3A_198 : vector<16xi32>
      %or3A_200 = vector.broadcast %scan3A_23 : i32 to vector<16xi32>
      %or3A_201 = arith.ori %shift_right_arithmetic3A_199, %or3A_200 : vector<16xi32>
      %xor3A_202 = arith.xori %get3A_196, %or3A_201 : vector<16xi32>
      %xor3A_203 = vector.broadcast %scan3A_24 : i32 to vector<16xi32>
      %xor3A_204 = arith.xori %xor3A_202, %xor3A_203 : vector<16xi32>
      %swap3A_205 = arith.index_cast %mul3A_194 : i32 to index
      %swap3A_206 = tpu.vector_load %arg5[%swap3A_205] {strides = array<i32>} : memref<8192xi32, #tpu.memory_space<vmem>>, vector<16xi32>,
      tpu.vector_store %arg5[%swap3A_205], %xor3A_204 {strides = array<i32>} : memref<8192xi32, #tpu.memory_space<vmem>>, vector<16xi32>,
      %and3A_207 = arith.constant 2047 : i32
      %and3A_208 = vector.broadcast %and3A_207 : i32 to vector<16xi32>
      %and3A_209 = arith.andi %xor3A_204, %and3A_208 : vector<16xi32>
      %broadcast_in_dim3A_210 = arith.constant true
      %broadcast_in_dim3A_211 = vector.broadcast %broadcast_in_dim3A_210 : i1 to vector<16xi1>
      %unique3A_212, %unique3A_213 = tpu.scan_count mask(%broadcast_in_dim3A_211 : vector<16xi1>) value(%and3A_209 : vector<16xi32>) : vector<16xi1>, vector<16xi32>
      tpu.vector_store_idx %arg11[%and3A_209], %unique3A_213 masked %unique3A_212 {add = true} : memref<2048xi32, #tpu.memory_space<vmem>>[vector<16xi32>], vector<16xi32>, vector<16xi1>
      %scan3A_214 = arith.constant 0 : i32
      scf.yield %scan3A_214 : i32
    }
    %scan3A_31 = arith.constant 256 : i32
    %scan3A_32 = arith.constant 0 : i32
    %scan3A_33 = arith.constant 0 : i32
    %scan3A_34 = arith.constant 128 : i32
    %scan3A_35 = arith.addi %scan3A_33, %scan3A_34 : i32
    %scan3A_36 = arith.constant 1 : i32
    %scan3A_37 = scf.for %scan3A_168 = %scan3A_33 to %scan3A_35 step %scan3A_36 iter_args(%scan3A_169 = %scan3A_32) -> (i32)  : i32 {
      %mul3A_170 = arith.constant 16 : i32
      %mul3A_171 = arith.muli %scan3A_168, %mul3A_170 : i32
      %swap3A = arith.index_cast %mul3A_171 : i32 to index
      %swap3A_172 = tpu.vector_load %arg12[%swap3A] {strides = array<i32>} : memref<2048xi32, #tpu.memory_space<vmem>>, vector<16xi32>,
      tpu.vector_store %arg12[%swap3A], %broadcast_in_dim3A_12 {strides = array<i32>} : memref<2048xi32, #tpu.memory_space<vmem>>, vector<16xi32>,
      %scan3A_173 = arith.constant 0 : i32
      scf.yield %scan3A_173 : i32
    }
    %scan3A_38 = arith.constant 128 : i32
    %scan3A_39 = arith.constant 0 : i32
    %scan3A_40 = arith.constant 0 : i32
    %scan3A_41 = arith.constant 128 : i32
    %scan3A_42 = arith.addi %scan3A_40, %scan3A_41 : i32
    %scan3A_43 = arith.constant 1 : i32
    %scan3A_44 = scf.for %scan3A_168 = %scan3A_40 to %scan3A_42 step %scan3A_43 iter_args(%scan3A_169 = %scan3A_39) -> (i32)  : i32 {
      %mul3A_170 = arith.constant 16 : i32
      %mul3A_171 = arith.muli %scan3A_168, %mul3A_170 : i32
      %get3A = arith.index_cast %mul3A_171 : i32 to index
      %get3A_172 = tpu.vector_load %arg11[%get3A] {strides = array<i32>} : memref<2048xi32, #tpu.memory_space<vmem>>, vector<16xi32>,
      %broadcast_in_dim3A_173 = arith.constant true
      %broadcast_in_dim3A_174 = vector.broadcast %broadcast_in_dim3A_173 : i1 to vector<16xi1>
      %masked_cumsum3A = tpu.scan <sum>, %get3A_172 masked %broadcast_in_dim3A_174 : vector<16xi32>, vector<16xi1> -> vector<16xi32>
      %sub3A = arith.subi %masked_cumsum3A, %get3A_172 : vector<16xi32>
      %add3A_175 = vector.broadcast %scan3A_169 : i32 to vector<16xi32>
      %add3A_176 = arith.addi %sub3A, %add3A_175 : vector<16xi32>
      %mul3A_177 = arith.constant 16 : i32
      %mul3A_178 = arith.muli %scan3A_168, %mul3A_177 : i32
      %swap3A = arith.index_cast %mul3A_178 : i32 to index
      %swap3A_179 = tpu.vector_load %arg11[%swap3A] {strides = array<i32>} : memref<2048xi32, #tpu.memory_space<vmem>>, vector<16xi32>,
      tpu.vector_store %arg11[%swap3A], %add3A_176 {strides = array<i32>} : memref<2048xi32, #tpu.memory_space<vmem>>, vector<16xi32>,
      %reduce_sum3A = arith.constant true
      %reduce_sum3A_180 = vector.broadcast %reduce_sum3A : i1 to vector<16xi1>
      %reduce_sum3A_181 = tpu.scan <sum>, %get3A_172 masked %reduce_sum3A_180 : vector<16xi32>, vector<16xi1> -> vector<16xi32>
      %reduce_sum3A_182 = vector.extract %reduce_sum3A_181[15] : i32 from vector<16xi32>
      %add3A_183 = arith.addi %scan3A_169, %reduce_sum3A_182 : i32
      scf.yield %add3A_183 : i32
    }
    %scan3A_45 = arith.constant 128 : i32
    %scan3A_46 = arith.constant 0 : i32
    %scan3A_47 = arith.constant 0 : i32
    %scan3A_48 = arith.constant 256 : i32
    %scan3A_49 = arith.addi %scan3A_47, %scan3A_48 : i32
    %scan3A_50 = arith.constant 1 : i32
    %scan3A_51 = scf.for %scan3A_168 = %scan3A_47 to %scan3A_49 step %scan3A_50 iter_args(%scan3A_169 = %scan3A_46) -> (i32)  : i32 {
      %mul3A_170 = arith.constant 2 : i32
      %mul3A_171 = arith.muli %mul3A_170, %scan3A_168 : i32
      %add3A_172 = arith.constant 0 : i32
      %add3A_173 = arith.addi %mul3A_171, %add3A_172 : i32
      %mul3A_174 = arith.constant 16 : i32
      %mul3A_175 = arith.muli %add3A_173, %mul3A_174 : i32
      %get3A = arith.index_cast %mul3A_175 : i32 to index
      %get3A_176 = tpu.vector_load %arg5[%get3A] {strides = array<i32>} : memref<8192xi32, #tpu.memory_space<vmem>>, vector<16xi32>,
      %add3A_177 = vector.broadcast %mul3A_175 : i32 to vector<16xi32>
      %add3A_178 = arith.addi %add3A_177, %iota3A : vector<16xi32>
      %and3A_179 = arith.constant 2047 : i32
      %and3A_180 = vector.broadcast %and3A_179 : i32 to vector<16xi32>
      %and3A_181 = arith.andi %get3A_176, %and3A_180 : vector<16xi32>
      %broadcast_in_dim3A_182 = arith.constant true
      %broadcast_in_dim3A_183 = vector.broadcast %broadcast_in_dim3A_182 : i1 to vector<16xi1>
      %unique3A, %unique3A_184 = tpu.scan_count mask(%broadcast_in_dim3A_183 : vector<16xi1>) value(%and3A_181 : vector<16xi32>) : vector<16xi1>, vector<16xi32>
      %gather3A = tpu.vector_load_idx %arg11[%and3A_181] : memref<2048xi32, #tpu.memory_space<vmem>>[vector<16xi32>], vector<16xi32>,
      %add3A_185 = arith.addi %gather3A, %unique3A_184 : vector<16xi32>
      %sub3A = arith.constant 1 : i32
      %sub3A_186 = vector.broadcast %sub3A : i32 to vector<16xi32>
      %sub3A_187 = arith.subi %add3A_185, %sub3A_186 : vector<16xi32>
      tpu.vector_store_idx %arg7[%sub3A_187], %get3A_176 : memref<8192xi32, #tpu.memory_space<vmem>>[vector<16xi32>], vector<16xi32>,
      tpu.vector_store_idx %arg8[%sub3A_187], %add3A_178 : memref<8192xi32, #tpu.memory_space<vmem>>[vector<16xi32>], vector<16xi32>,
      tpu.vector_store_idx %arg11[%and3A_181], %unique3A_184 masked %unique3A {add = true} : memref<2048xi32, #tpu.memory_space<vmem>>[vector<16xi32>], vector<16xi32>, vector<16xi1>
      %shift_right_logical3A = arith.constant 11 : i32
      %shift_right_logical3A_188 = vector.broadcast %shift_right_logical3A : i32 to vector<16xi32>
      %shift_right_logical3A_189 = arith.shrui %get3A_176, %shift_right_logical3A_188 : vector<16xi32>
      %and3A_190 = arith.constant 2047 : i32
      %and3A_191 = vector.broadcast %and3A_190 : i32 to vector<16xi32>
      %and3A_192 = arith.andi %shift_right_logical3A_189, %and3A_191 : vector<16xi32>
      %broadcast_in_dim3A_193 = arith.constant true
      %broadcast_in_dim3A_194 = vector.broadcast %broadcast_in_dim3A_193 : i1 to vector<16xi1>
      %unique3A_195, %unique3A_196 = tpu.scan_count mask(%broadcast_in_dim3A_194 : vector<16xi1>) value(%and3A_192 : vector<16xi32>) : vector<16xi1>, vector<16xi32>
      tpu.vector_store_idx %arg12[%and3A_192], %unique3A_196 masked %unique3A_195 {add = true} : memref<2048xi32, #tpu.memory_space<vmem>>[vector<16xi32>], vector<16xi32>, vector<16xi1>
      %mul3A_197 = arith.constant 2 : i32
      %mul3A_198 = arith.muli %mul3A_197, %scan3A_168 : i32
      %add3A_199 = arith.constant 1 : i32
      %add3A_200 = arith.addi %mul3A_198, %add3A_199 : i32
      %mul3A_201 = arith.constant 16 : i32
      %mul3A_202 = arith.muli %add3A_200, %mul3A_201 : i32
      %get3A_203 = arith.index_cast %mul3A_202 : i32 to index
      %get3A_204 = tpu.vector_load %arg5[%get3A_203] {strides = array<i32>} : memref<8192xi32, #tpu.memory_space<vmem>>, vector<16xi32>,
      %add3A_205 = vector.broadcast %mul3A_202 : i32 to vector<16xi32>
      %add3A_206 = arith.addi %add3A_205, %iota3A : vector<16xi32>
      %and3A_207 = arith.constant 2047 : i32
      %and3A_208 = vector.broadcast %and3A_207 : i32 to vector<16xi32>
      %and3A_209 = arith.andi %get3A_204, %and3A_208 : vector<16xi32>
      %broadcast_in_dim3A_210 = arith.constant true
      %broadcast_in_dim3A_211 = vector.broadcast %broadcast_in_dim3A_210 : i1 to vector<16xi1>
      %unique3A_212, %unique3A_213 = tpu.scan_count mask(%broadcast_in_dim3A_211 : vector<16xi1>) value(%and3A_209 : vector<16xi32>) : vector<16xi1>, vector<16xi32>
      %gather3A_214 = tpu.vector_load_idx %arg11[%and3A_209] : memref<2048xi32, #tpu.memory_space<vmem>>[vector<16xi32>], vector<16xi32>,
      %add3A_215 = arith.addi %gather3A_214, %unique3A_213 : vector<16xi32>
      %sub3A_216 = arith.constant 1 : i32
      %sub3A_217 = vector.broadcast %sub3A_216 : i32 to vector<16xi32>
      %sub3A_218 = arith.subi %add3A_215, %sub3A_217 : vector<16xi32>
      tpu.vector_store_idx %arg7[%sub3A_218], %get3A_204 : memref<8192xi32, #tpu.memory_space<vmem>>[vector<16xi32>], vector<16xi32>,
      tpu.vector_store_idx %arg8[%sub3A_218], %add3A_206 : memref<8192xi32, #tpu.memory_space<vmem>>[vector<16xi32>], vector<16xi32>,
      tpu.vector_store_idx %arg11[%and3A_209], %unique3A_213 masked %unique3A_212 {add = true} : memref<2048xi32, #tpu.memory_space<vmem>>[vector<16xi32>], vector<16xi32>, vector<16xi1>
      %shift_right_logical3A_219 = arith.constant 11 : i32
      %shift_right_logical3A_220 = vector.broadcast %shift_right_logical3A_219 : i32 to vector<16xi32>
      %shift_right_logical3A_221 = arith.shrui %get3A_204, %shift_right_logical3A_220 : vector<16xi32>
      %and3A_222 = arith.constant 2047 : i32
      %and3A_223 = vector.broadcast %and3A_222 : i32 to vector<16xi32>
      %and3A_224 = arith.andi %shift_right_logical3A_221, %and3A_223 : vector<16xi32>
      %broadcast_in_dim3A_225 = arith.constant true
      %broadcast_in_dim3A_226 = vector.broadcast %broadcast_in_dim3A_225 : i1 to vector<16xi1>
      %unique3A_227, %unique3A_228 = tpu.scan_count mask(%broadcast_in_dim3A_226 : vector<16xi1>) value(%and3A_224 : vector<16xi32>) : vector<16xi1>, vector<16xi32>
      tpu.vector_store_idx %arg12[%and3A_224], %unique3A_228 masked %unique3A_227 {add = true} : memref<2048xi32, #tpu.memory_space<vmem>>[vector<16xi32>], vector<16xi32>, vector<16xi1>
      %scan3A_229 = arith.constant 0 : i32
      scf.yield %scan3A_229 : i32
    }
    %scan3A_52 = arith.constant 256 : i32
    %scan3A_53 = arith.constant 0 : i32
    %scan3A_54 = arith.constant 0 : i32
    %scan3A_55 = arith.constant 64 : i32
    %scan3A_56 = arith.addi %scan3A_54, %scan3A_55 : i32
    %scan3A_57 = arith.constant 1 : i32
    %scan3A_58 = scf.for %scan3A_168 = %scan3A_54 to %scan3A_56 step %scan3A_57 iter_args(%scan3A_169 = %scan3A_53) -> (i32)  : i32 {
      %mul3A_170 = arith.constant 16 : i32
      %mul3A_171 = arith.muli %scan3A_168, %mul3A_170 : i32
      %swap3A = arith.index_cast %mul3A_171 : i32 to index
      %swap3A_172 = tpu.vector_load %arg11[%swap3A] {strides = array<i32>} : memref<2048xi32, #tpu.memory_space<vmem>>, vector<16xi32>,
      tpu.vector_store %arg11[%swap3A], %broadcast_in_dim3A_12 {strides = array<i32>} : memref<2048xi32, #tpu.memory_space<vmem>>, vector<16xi32>,
      %scan3A_173 = arith.constant 0 : i32
      scf.yield %scan3A_173 : i32
    }
    %scan3A_59 = arith.constant 64 : i32
    %scan3A_60 = arith.constant 0 : i32
    %scan3A_61 = arith.constant 0 : i32
    %scan3A_62 = arith.constant 128 : i32
    %scan3A_63 = arith.addi %scan3A_61, %scan3A_62 : i32
    %scan3A_64 = arith.constant 1 : i32
    %scan3A_65 = scf.for %scan3A_168 = %scan3A_61 to %scan3A_63 step %scan3A_64 iter_args(%scan3A_169 = %scan3A_60) -> (i32)  : i32 {
      %mul3A_170 = arith.constant 16 : i32
      %mul3A_171 = arith.muli %scan3A_168, %mul3A_170 : i32
      %get3A = arith.index_cast %mul3A_171 : i32 to index
      %get3A_172 = tpu.vector_load %arg12[%get3A] {strides = array<i32>} : memref<2048xi32, #tpu.memory_space<vmem>>, vector<16xi32>,
      %broadcast_in_dim3A_173 = arith.constant true
      %broadcast_in_dim3A_174 = vector.broadcast %broadcast_in_dim3A_173 : i1 to vector<16xi1>
      %masked_cumsum3A = tpu.scan <sum>, %get3A_172 masked %broadcast_in_dim3A_174 : vector<16xi32>, vector<16xi1> -> vector<16xi32>
      %sub3A = arith.subi %masked_cumsum3A, %get3A_172 : vector<16xi32>
      %add3A_175 = vector.broadcast %scan3A_169 : i32 to vector<16xi32>
      %add3A_176 = arith.addi %sub3A, %add3A_175 : vector<16xi32>
      %mul3A_177 = arith.constant 16 : i32
      %mul3A_178 = arith.muli %scan3A_168, %mul3A_177 : i32
      %swap3A = arith.index_cast %mul3A_178 : i32 to index
      %swap3A_179 = tpu.vector_load %arg12[%swap3A] {strides = array<i32>} : memref<2048xi32, #tpu.memory_space<vmem>>, vector<16xi32>,
      tpu.vector_store %arg12[%swap3A], %add3A_176 {strides = array<i32>} : memref<2048xi32, #tpu.memory_space<vmem>>, vector<16xi32>,
      %reduce_sum3A = arith.constant true
      %reduce_sum3A_180 = vector.broadcast %reduce_sum3A : i1 to vector<16xi1>
      %reduce_sum3A_181 = tpu.scan <sum>, %get3A_172 masked %reduce_sum3A_180 : vector<16xi32>, vector<16xi1> -> vector<16xi32>
      %reduce_sum3A_182 = vector.extract %reduce_sum3A_181[15] : i32 from vector<16xi32>
      %add3A_183 = arith.addi %scan3A_169, %reduce_sum3A_182 : i32
      scf.yield %add3A_183 : i32
    }
    %scan3A_66 = arith.constant 128 : i32
    %scan3A_67 = arith.constant 0 : i32
    %scan3A_68 = arith.constant 0 : i32
    %scan3A_69 = arith.constant 256 : i32
    %scan3A_70 = arith.addi %scan3A_68, %scan3A_69 : i32
    %scan3A_71 = arith.constant 1 : i32
    %scan3A_72 = scf.for %scan3A_168 = %scan3A_68 to %scan3A_70 step %scan3A_71 iter_args(%scan3A_169 = %scan3A_67) -> (i32)  : i32 {
      %mul3A_170 = arith.constant 2 : i32
      %mul3A_171 = arith.muli %mul3A_170, %scan3A_168 : i32
      %add3A_172 = arith.constant 0 : i32
      %add3A_173 = arith.addi %mul3A_171, %add3A_172 : i32
      %mul3A_174 = arith.constant 16 : i32
      %mul3A_175 = arith.muli %add3A_173, %mul3A_174 : i32
      %get3A = arith.index_cast %mul3A_175 : i32 to index
      %get3A_176 = tpu.vector_load %arg7[%get3A] {strides = array<i32>} : memref<8192xi32, #tpu.memory_space<vmem>>, vector<16xi32>,
      %get3A_177 = arith.index_cast %mul3A_175 : i32 to index
      %get3A_178 = tpu.vector_load %arg8[%get3A_177] {strides = array<i32>} : memref<8192xi32, #tpu.memory_space<vmem>>, vector<16xi32>,
      %shift_right_logical3A = arith.constant 11 : i32
      %shift_right_logical3A_179 = vector.broadcast %shift_right_logical3A : i32 to vector<16xi32>
      %shift_right_logical3A_180 = arith.shrui %get3A_176, %shift_right_logical3A_179 : vector<16xi32>
      %and3A_181 = arith.constant 2047 : i32
      %and3A_182 = vector.broadcast %and3A_181 : i32 to vector<16xi32>
      %and3A_183 = arith.andi %shift_right_logical3A_180, %and3A_182 : vector<16xi32>
      %broadcast_in_dim3A_184 = arith.constant true
      %broadcast_in_dim3A_185 = vector.broadcast %broadcast_in_dim3A_184 : i1 to vector<16xi1>
      %unique3A, %unique3A_186 = tpu.scan_count mask(%broadcast_in_dim3A_185 : vector<16xi1>) value(%and3A_183 : vector<16xi32>) : vector<16xi1>, vector<16xi32>
      %gather3A = tpu.vector_load_idx %arg12[%and3A_183] : memref<2048xi32, #tpu.memory_space<vmem>>[vector<16xi32>], vector<16xi32>,
      %add3A_187 = arith.addi %gather3A, %unique3A_186 : vector<16xi32>
      %sub3A = arith.constant 1 : i32
      %sub3A_188 = vector.broadcast %sub3A : i32 to vector<16xi32>
      %sub3A_189 = arith.subi %add3A_187, %sub3A_188 : vector<16xi32>
      tpu.vector_store_idx %arg5[%sub3A_189], %get3A_176 : memref<8192xi32, #tpu.memory_space<vmem>>[vector<16xi32>], vector<16xi32>,
      tpu.vector_store_idx %arg6[%sub3A_189], %get3A_178 : memref<8192xi32, #tpu.memory_space<vmem>>[vector<16xi32>], vector<16xi32>,
      tpu.vector_store_idx %arg12[%and3A_183], %unique3A_186 masked %unique3A {add = true} : memref<2048xi32, #tpu.memory_space<vmem>>[vector<16xi32>], vector<16xi32>, vector<16xi1>
      %shift_right_logical3A_190 = arith.constant 22 : i32
      %shift_right_logical3A_191 = vector.broadcast %shift_right_logical3A_190 : i32 to vector<16xi32>
      %shift_right_logical3A_192 = arith.shrui %get3A_176, %shift_right_logical3A_191 : vector<16xi32>
      %and3A_193 = arith.constant 1023 : i32
      %and3A_194 = vector.broadcast %and3A_193 : i32 to vector<16xi32>
      %and3A_195 = arith.andi %shift_right_logical3A_192, %and3A_194 : vector<16xi32>
      %broadcast_in_dim3A_196 = arith.constant true
      %broadcast_in_dim3A_197 = vector.broadcast %broadcast_in_dim3A_196 : i1 to vector<16xi1>
      %unique3A_198, %unique3A_199 = tpu.scan_count mask(%broadcast_in_dim3A_197 : vector<16xi1>) value(%and3A_195 : vector<16xi32>) : vector<16xi1>, vector<16xi32>
      tpu.vector_store_idx %arg11[%and3A_195], %unique3A_199 masked %unique3A_198 {add = true} : memref<2048xi32, #tpu.memory_space<vmem>>[vector<16xi32>], vector<16xi32>, vector<16xi1>
      %mul3A_200 = arith.constant 2 : i32
      %mul3A_201 = arith.muli %mul3A_200, %scan3A_168 : i32
      %add3A_202 = arith.constant 1 : i32
      %add3A_203 = arith.addi %mul3A_201, %add3A_202 : i32
      %mul3A_204 = arith.constant 16 : i32
      %mul3A_205 = arith.muli %add3A_203, %mul3A_204 : i32
      %get3A_206 = arith.index_cast %mul3A_205 : i32 to index
      %get3A_207 = tpu.vector_load %arg7[%get3A_206] {strides = array<i32>} : memref<8192xi32, #tpu.memory_space<vmem>>, vector<16xi32>,
      %get3A_208 = arith.index_cast %mul3A_205 : i32 to index
      %get3A_209 = tpu.vector_load %arg8[%get3A_208] {strides = array<i32>} : memref<8192xi32, #tpu.memory_space<vmem>>, vector<16xi32>,
      %shift_right_logical3A_210 = arith.constant 11 : i32
      %shift_right_logical3A_211 = vector.broadcast %shift_right_logical3A_210 : i32 to vector<16xi32>
      %shift_right_logical3A_212 = arith.shrui %get3A_207, %shift_right_logical3A_211 : vector<16xi32>
      %and3A_213 = arith.constant 2047 : i32
      %and3A_214 = vector.broadcast %and3A_213 : i32 to vector<16xi32>
      %and3A_215 = arith.andi %shift_right_logical3A_212, %and3A_214 : vector<16xi32>
      %broadcast_in_dim3A_216 = arith.constant true
      %broadcast_in_dim3A_217 = vector.broadcast %broadcast_in_dim3A_216 : i1 to vector<16xi1>
      %unique3A_218, %unique3A_219 = tpu.scan_count mask(%broadcast_in_dim3A_217 : vector<16xi1>) value(%and3A_215 : vector<16xi32>) : vector<16xi1>, vector<16xi32>
      %gather3A_220 = tpu.vector_load_idx %arg12[%and3A_215] : memref<2048xi32, #tpu.memory_space<vmem>>[vector<16xi32>], vector<16xi32>,
      %add3A_221 = arith.addi %gather3A_220, %unique3A_219 : vector<16xi32>
      %sub3A_222 = arith.constant 1 : i32
      %sub3A_223 = vector.broadcast %sub3A_222 : i32 to vector<16xi32>
      %sub3A_224 = arith.subi %add3A_221, %sub3A_223 : vector<16xi32>
      tpu.vector_store_idx %arg5[%sub3A_224], %get3A_207 : memref<8192xi32, #tpu.memory_space<vmem>>[vector<16xi32>], vector<16xi32>,
      tpu.vector_store_idx %arg6[%sub3A_224], %get3A_209 : memref<8192xi32, #tpu.memory_space<vmem>>[vector<16xi32>], vector<16xi32>,
      tpu.vector_store_idx %arg12[%and3A_215], %unique3A_219 masked %unique3A_218 {add = true} : memref<2048xi32, #tpu.memory_space<vmem>>[vector<16xi32>], vector<16xi32>, vector<16xi1>
      %shift_right_logical3A_225 = arith.constant 22 : i32
      %shift_right_logical3A_226 = vector.broadcast %shift_right_logical3A_225 : i32 to vector<16xi32>
      %shift_right_logical3A_227 = arith.shrui %get3A_207, %shift_right_logical3A_226 : vector<16xi32>
      %and3A_228 = arith.constant 1023 : i32
      %and3A_229 = vector.broadcast %and3A_228 : i32 to vector<16xi32>
      %and3A_230 = arith.andi %shift_right_logical3A_227, %and3A_229 : vector<16xi32>
      %broadcast_in_dim3A_231 = arith.constant true
      %broadcast_in_dim3A_232 = vector.broadcast %broadcast_in_dim3A_231 : i1 to vector<16xi1>
      %unique3A_233, %unique3A_234 = tpu.scan_count mask(%broadcast_in_dim3A_232 : vector<16xi1>) value(%and3A_230 : vector<16xi32>) : vector<16xi1>, vector<16xi32>
      tpu.vector_store_idx %arg11[%and3A_230], %unique3A_234 masked %unique3A_233 {add = true} : memref<2048xi32, #tpu.memory_space<vmem>>[vector<16xi32>], vector<16xi32>, vector<16xi1>
      %scan3A_235 = arith.constant 0 : i32
      scf.yield %scan3A_235 : i32
    }
    %scan3A_73 = arith.constant 256 : i32
    %scan3A_74 = arith.constant 0 : i32
    %scan3A_75 = arith.constant 0 : i32
    %scan3A_76 = arith.constant 64 : i32
    %scan3A_77 = arith.addi %scan3A_75, %scan3A_76 : i32
    %scan3A_78 = arith.constant 1 : i32
    %scan3A_79 = scf.for %scan3A_168 = %scan3A_75 to %scan3A_77 step %scan3A_78 iter_args(%scan3A_169 = %scan3A_74) -> (i32)  : i32 {
      %mul3A_170 = arith.constant 16 : i32
      %mul3A_171 = arith.muli %scan3A_168, %mul3A_170 : i32
      %get3A = arith.index_cast %mul3A_171 : i32 to index
      %get3A_172 = tpu.vector_load %arg11[%get3A] {strides = array<i32>} : memref<2048xi32, #tpu.memory_space<vmem>>, vector<16xi32>,
      %broadcast_in_dim3A_173 = arith.constant true
      %broadcast_in_dim3A_174 = vector.broadcast %broadcast_in_dim3A_173 : i1 to vector<16xi1>
      %masked_cumsum3A = tpu.scan <sum>, %get3A_172 masked %broadcast_in_dim3A_174 : vector<16xi32>, vector<16xi1> -> vector<16xi32>
      %sub3A = arith.subi %masked_cumsum3A, %get3A_172 : vector<16xi32>
      %add3A_175 = vector.broadcast %scan3A_169 : i32 to vector<16xi32>
      %add3A_176 = arith.addi %sub3A, %add3A_175 : vector<16xi32>
      %mul3A_177 = arith.constant 16 : i32
      %mul3A_178 = arith.muli %scan3A_168, %mul3A_177 : i32
      %swap3A = arith.index_cast %mul3A_178 : i32 to index
      %swap3A_179 = tpu.vector_load %arg11[%swap3A] {strides = array<i32>} : memref<2048xi32, #tpu.memory_space<vmem>>, vector<16xi32>,
      tpu.vector_store %arg11[%swap3A], %add3A_176 {strides = array<i32>} : memref<2048xi32, #tpu.memory_space<vmem>>, vector<16xi32>,
      %reduce_sum3A = arith.constant true
      %reduce_sum3A_180 = vector.broadcast %reduce_sum3A : i1 to vector<16xi1>
      %reduce_sum3A_181 = tpu.scan <sum>, %get3A_172 masked %reduce_sum3A_180 : vector<16xi32>, vector<16xi1> -> vector<16xi32>
      %reduce_sum3A_182 = vector.extract %reduce_sum3A_181[15] : i32 from vector<16xi32>
      %add3A_183 = arith.addi %scan3A_169, %reduce_sum3A_182 : i32
      scf.yield %add3A_183 : i32
    }
    %scan3A_80 = arith.constant 64 : i32
    %scan3A_81 = arith.constant 0 : i32
    %scan3A_82 = arith.constant 0 : i32
    %scan3A_83 = arith.constant 256 : i32
    %scan3A_84 = arith.addi %scan3A_82, %scan3A_83 : i32
    %scan3A_85 = arith.constant 1 : i32
    %scan3A_86 = scf.for %scan3A_168 = %scan3A_82 to %scan3A_84 step %scan3A_85 iter_args(%scan3A_169 = %scan3A_81) -> (i32)  : i32 {
      %mul3A_170 = arith.constant 2 : i32
      %mul3A_171 = arith.muli %mul3A_170, %scan3A_168 : i32
      %add3A_172 = arith.constant 0 : i32
      %add3A_173 = arith.addi %mul3A_171, %add3A_172 : i32
      %mul3A_174 = arith.constant 16 : i32
      %mul3A_175 = arith.muli %add3A_173, %mul3A_174 : i32
      %get3A = arith.index_cast %mul3A_175 : i32 to index
      %get3A_176 = tpu.vector_load %arg5[%get3A] {strides = array<i32>} : memref<8192xi32, #tpu.memory_space<vmem>>, vector<16xi32>,
      %get3A_177 = arith.index_cast %mul3A_175 : i32 to index
      %get3A_178 = tpu.vector_load %arg6[%get3A_177] {strides = array<i32>} : memref<8192xi32, #tpu.memory_space<vmem>>, vector<16xi32>,
      %shift_right_logical3A = arith.constant 22 : i32
      %shift_right_logical3A_179 = vector.broadcast %shift_right_logical3A : i32 to vector<16xi32>
      %shift_right_logical3A_180 = arith.shrui %get3A_176, %shift_right_logical3A_179 : vector<16xi32>
      %and3A_181 = arith.constant 1023 : i32
      %and3A_182 = vector.broadcast %and3A_181 : i32 to vector<16xi32>
      %and3A_183 = arith.andi %shift_right_logical3A_180, %and3A_182 : vector<16xi32>
      %broadcast_in_dim3A_184 = arith.constant true
      %broadcast_in_dim3A_185 = vector.broadcast %broadcast_in_dim3A_184 : i1 to vector<16xi1>
      %unique3A, %unique3A_186 = tpu.scan_count mask(%broadcast_in_dim3A_185 : vector<16xi1>) value(%and3A_183 : vector<16xi32>) : vector<16xi1>, vector<16xi32>
      %gather3A = tpu.vector_load_idx %arg11[%and3A_183] : memref<2048xi32, #tpu.memory_space<vmem>>[vector<16xi32>], vector<16xi32>,
      %add3A_187 = arith.addi %gather3A, %unique3A_186 : vector<16xi32>
      %sub3A = arith.constant 1 : i32
      %sub3A_188 = vector.broadcast %sub3A : i32 to vector<16xi32>
      %sub3A_189 = arith.subi %add3A_187, %sub3A_188 : vector<16xi32>
      %gather3A_190 = tpu.vector_load_idx %arg9[%sub3A_189] : memref<8192xf32, #tpu.memory_space<vmem>>[vector<16xi32>], vector<16xf32>,
      tpu.vector_store_idx %arg10[%get3A_178], %gather3A_190 : memref<8192xf32, #tpu.memory_space<vmem>>[vector<16xi32>], vector<16xf32>,
      tpu.vector_store_idx %arg11[%and3A_183], %unique3A_186 masked %unique3A {add = true} : memref<2048xi32, #tpu.memory_space<vmem>>[vector<16xi32>], vector<16xi32>, vector<16xi1>
      %mul3A_191 = arith.constant 2 : i32
      %mul3A_192 = arith.muli %mul3A_191, %scan3A_168 : i32
      %add3A_193 = arith.constant 1 : i32
      %add3A_194 = arith.addi %mul3A_192, %add3A_193 : i32
      %mul3A_195 = arith.constant 16 : i32
      %mul3A_196 = arith.muli %add3A_194, %mul3A_195 : i32
      %get3A_197 = arith.index_cast %mul3A_196 : i32 to index
      %get3A_198 = tpu.vector_load %arg5[%get3A_197] {strides = array<i32>} : memref<8192xi32, #tpu.memory_space<vmem>>, vector<16xi32>,
      %get3A_199 = arith.index_cast %mul3A_196 : i32 to index
      %get3A_200 = tpu.vector_load %arg6[%get3A_199] {strides = array<i32>} : memref<8192xi32, #tpu.memory_space<vmem>>, vector<16xi32>,
      %shift_right_logical3A_201 = arith.constant 22 : i32
      %shift_right_logical3A_202 = vector.broadcast %shift_right_logical3A_201 : i32 to vector<16xi32>
      %shift_right_logical3A_203 = arith.shrui %get3A_198, %shift_right_logical3A_202 : vector<16xi32>
      %and3A_204 = arith.constant 1023 : i32
      %and3A_205 = vector.broadcast %and3A_204 : i32 to vector<16xi32>
      %and3A_206 = arith.andi %shift_right_logical3A_203, %and3A_205 : vector<16xi32>
      %broadcast_in_dim3A_207 = arith.constant true
      %broadcast_in_dim3A_208 = vector.broadcast %broadcast_in_dim3A_207 : i1 to vector<16xi1>
      %unique3A_209, %unique3A_210 = tpu.scan_count mask(%broadcast_in_dim3A_208 : vector<16xi1>) value(%and3A_206 : vector<16xi32>) : vector<16xi1>, vector<16xi32>
      %gather3A_211 = tpu.vector_load_idx %arg11[%and3A_206] : memref<2048xi32, #tpu.memory_space<vmem>>[vector<16xi32>], vector<16xi32>,
      %add3A_212 = arith.addi %gather3A_211, %unique3A_210 : vector<16xi32>
      %sub3A_213 = arith.constant 1 : i32
      %sub3A_214 = vector.broadcast %sub3A_213 : i32 to vector<16xi32>
      %sub3A_215 = arith.subi %add3A_212, %sub3A_214 : vector<16xi32>
      %gather3A_216 = tpu.vector_load_idx %arg9[%sub3A_215] : memref<8192xf32, #tpu.memory_space<vmem>>[vector<16xi32>], vector<16xf32>,
      tpu.vector_store_idx %arg10[%get3A_200], %gather3A_216 : memref<8192xf32, #tpu.memory_space<vmem>>[vector<16xi32>], vector<16xf32>,
      tpu.vector_store_idx %arg11[%and3A_206], %unique3A_210 masked %unique3A_209 {add = true} : memref<2048xi32, #tpu.memory_space<vmem>>[vector<16xi32>], vector<16xi32>, vector<16xi1>
      %scan3A_217 = arith.constant 0 : i32
      scf.yield %scan3A_217 : i32
    }
    %scan3A_87 = arith.constant 256 : i32
    %mul3A_88 = arith.constant 8192 : i32
    %mul3A_89 = arith.muli %add3A_14, %mul3A_88 : i32
    "tpu.region"() ({
      %run_scoped3A = tpu.sem_alloc : memref<!tpu.dma_semaphore, #tpu.memory_space<semaphore_mem>>
      %dma_start3A = tpu.memref_slice %arg4[%mul3A_89] : memref<524288xf32, #tpu.memory_space<hbm>> -> memref<8192xf32, #tpu.memory_space<hbm>>
      %dma_start3A_168 = tpu.memref_slice %arg4[%mul3A_89] : memref<524288xf32, #tpu.memory_space<hbm>> -> memref<8192xf32, #tpu.memory_space<hbm>>
      tpu.enqueue_dma source(%arg10 : memref<8192xf32, #tpu.memory_space<vmem>>) target(%dma_start3A_168 : memref<8192xf32, #tpu.memory_space<hbm>>) target_semaphore(%run_scoped3A : memref<!tpu.dma_semaphore, #tpu.memory_space<semaphore_mem>>)
      %dma_wait3A = tpu.memref_slice %arg4[%mul3A_89] : memref<524288xf32, #tpu.memory_space<hbm>> -> memref<8192xf32, #tpu.memory_space<hbm>>
      %dma_wait3A_169 = tpu.memref_slice %arg4[%mul3A_89] : memref<524288xf32, #tpu.memory_space<hbm>> -> memref<8192xf32, #tpu.memory_space<hbm>>
      tpu.wait_dma2 semaphore(%run_scoped3A : memref<!tpu.dma_semaphore, #tpu.memory_space<semaphore_mem>>) src(%arg10 : memref<8192xf32, #tpu.memory_space<vmem>>) dst(%dma_wait3A_169 : memref<8192xf32, #tpu.memory_space<hbm>>)
      tpu.yield
    }) : () -> ()
    %add3A_90 = arith.constant 32 : i32
    %add3A_91 = arith.addi %add3A, %add3A_90 : i32
    %mul3A_92 = arith.constant 8192 : i32
    %mul3A_93 = arith.muli %add3A_91, %mul3A_92 : i32
    "tpu.region"() ({
      %run_scoped3A = tpu.sem_alloc : memref<!tpu.dma_semaphore, #tpu.memory_space<semaphore_mem>>
      %dma_start3A = tpu.memref_slice %arg2[%mul3A_93] : memref<524288xi32, #tpu.memory_space<hbm>> -> memref<8192xi32, #tpu.memory_space<hbm>>
      %dma_start3A_168 = tpu.memref_slice %arg2[%mul3A_93] : memref<524288xi32, #tpu.memory_space<hbm>> -> memref<8192xi32, #tpu.memory_space<hbm>>
      tpu.enqueue_dma source(%dma_start3A_168 : memref<8192xi32, #tpu.memory_space<hbm>>) target(%arg5 : memref<8192xi32, #tpu.memory_space<vmem>>) target_semaphore(%run_scoped3A : memref<!tpu.dma_semaphore, #tpu.memory_space<semaphore_mem>>)
      %dma_wait3A = tpu.memref_slice %arg2[%mul3A_93] : memref<524288xi32, #tpu.memory_space<hbm>> -> memref<8192xi32, #tpu.memory_space<hbm>>
      %dma_wait3A_169 = tpu.memref_slice %arg2[%mul3A_93] : memref<524288xi32, #tpu.memory_space<hbm>> -> memref<8192xi32, #tpu.memory_space<hbm>>
      tpu.wait_dma2 semaphore(%run_scoped3A : memref<!tpu.dma_semaphore, #tpu.memory_space<semaphore_mem>>) src(%dma_wait3A_169 : memref<8192xi32, #tpu.memory_space<hbm>>) dst(%arg5 : memref<8192xi32, #tpu.memory_space<vmem>>)
      tpu.yield
    }) : () -> ()
    %scan3A_94 = arith.constant 0 : i32
    %scan3A_95 = arith.constant 0 : i32
    %scan3A_96 = arith.constant 128 : i32
    %scan3A_97 = arith.addi %scan3A_95, %scan3A_96 : i32
    %scan3A_98 = arith.constant 1 : i32
    %scan3A_99 = scf.for %scan3A_168 = %scan3A_95 to %scan3A_97 step %scan3A_98 iter_args(%scan3A_169 = %scan3A_94) -> (i32)  : i32 {
      %mul3A_170 = arith.constant 16 : i32
      %mul3A_171 = arith.muli %scan3A_168, %mul3A_170 : i32
      %swap3A = arith.index_cast %mul3A_171 : i32 to index
      %swap3A_172 = tpu.vector_load %arg11[%swap3A] {strides = array<i32>} : memref<2048xi32, #tpu.memory_space<vmem>>, vector<16xi32>,
      tpu.vector_store %arg11[%swap3A], %broadcast_in_dim3A_12 {strides = array<i32>} : memref<2048xi32, #tpu.memory_space<vmem>>, vector<16xi32>,
      %scan3A_173 = arith.constant 0 : i32
      scf.yield %scan3A_173 : i32
    }
    %scan3A_100 = arith.constant 128 : i32
    %scan3A_101 = arith.constant -2147483648 : i32
    %scan3A_102 = arith.constant -1 : i32
    %scan3A_103 = arith.constant 0 : i32
    %scan3A_104 = arith.constant 0 : i32
    %scan3A_105 = arith.constant 256 : i32
    %scan3A_106 = arith.addi %scan3A_104, %scan3A_105 : i32
    %scan3A_107 = arith.constant 1 : i32
    %scan3A_108 = scf.for %scan3A_168 = %scan3A_104 to %scan3A_106 step %scan3A_107 iter_args(%scan3A_169 = %scan3A_103) -> (i32)  : i32 {
      %mul3A_170 = arith.constant 2 : i32
      %mul3A_171 = arith.muli %mul3A_170, %scan3A_168 : i32
      %add3A_172 = arith.constant 0 : i32
      %add3A_173 = arith.addi %mul3A_171, %add3A_172 : i32
      %mul3A_174 = arith.constant 16 : i32
      %mul3A_175 = arith.muli %add3A_173, %mul3A_174 : i32
      %get3A = arith.index_cast %mul3A_175 : i32 to index
      %get3A_176 = tpu.vector_load %arg5[%get3A] {strides = array<i32>} : memref<8192xi32, #tpu.memory_space<vmem>>, vector<16xi32>,
      %shift_right_arithmetic3A = arith.constant 31 : i32
      %shift_right_arithmetic3A_177 = vector.broadcast %shift_right_arithmetic3A : i32 to vector<16xi32>
      %shift_right_arithmetic3A_178 = arith.shrsi %get3A_176, %shift_right_arithmetic3A_177 : vector<16xi32>
      %or3A = vector.broadcast %scan3A_101 : i32 to vector<16xi32>
      %or3A_179 = arith.ori %shift_right_arithmetic3A_178, %or3A : vector<16xi32>
      %xor3A = arith.xori %get3A_176, %or3A_179 : vector<16xi32>
      %xor3A_180 = vector.broadcast %scan3A_102 : i32 to vector<16xi32>
      %xor3A_181 = arith.xori %xor3A, %xor3A_180 : vector<16xi32>
      %swap3A = arith.index_cast %mul3A_175 : i32 to index
      %swap3A_182 = tpu.vector_load %arg5[%swap3A] {strides = array<i32>} : memref<8192xi32, #tpu.memory_space<vmem>>, vector<16xi32>,
      tpu.vector_store %arg5[%swap3A], %xor3A_181 {strides = array<i32>} : memref<8192xi32, #tpu.memory_space<vmem>>, vector<16xi32>,
      %and3A_183 = arith.constant 2047 : i32
      %and3A_184 = vector.broadcast %and3A_183 : i32 to vector<16xi32>
      %and3A_185 = arith.andi %xor3A_181, %and3A_184 : vector<16xi32>
      %broadcast_in_dim3A_186 = arith.constant true
      %broadcast_in_dim3A_187 = vector.broadcast %broadcast_in_dim3A_186 : i1 to vector<16xi1>
      %unique3A, %unique3A_188 = tpu.scan_count mask(%broadcast_in_dim3A_187 : vector<16xi1>) value(%and3A_185 : vector<16xi32>) : vector<16xi1>, vector<16xi32>
      tpu.vector_store_idx %arg11[%and3A_185], %unique3A_188 masked %unique3A {add = true} : memref<2048xi32, #tpu.memory_space<vmem>>[vector<16xi32>], vector<16xi32>, vector<16xi1>
      %mul3A_189 = arith.constant 2 : i32
      %mul3A_190 = arith.muli %mul3A_189, %scan3A_168 : i32
      %add3A_191 = arith.constant 1 : i32
      %add3A_192 = arith.addi %mul3A_190, %add3A_191 : i32
      %mul3A_193 = arith.constant 16 : i32
      %mul3A_194 = arith.muli %add3A_192, %mul3A_193 : i32
      %get3A_195 = arith.index_cast %mul3A_194 : i32 to index
      %get3A_196 = tpu.vector_load %arg5[%get3A_195] {strides = array<i32>} : memref<8192xi32, #tpu.memory_space<vmem>>, vector<16xi32>,
      %shift_right_arithmetic3A_197 = arith.constant 31 : i32
      %shift_right_arithmetic3A_198 = vector.broadcast %shift_right_arithmetic3A_197 : i32 to vector<16xi32>
      %shift_right_arithmetic3A_199 = arith.shrsi %get3A_196, %shift_right_arithmetic3A_198 : vector<16xi32>
      %or3A_200 = vector.broadcast %scan3A_101 : i32 to vector<16xi32>
      %or3A_201 = arith.ori %shift_right_arithmetic3A_199, %or3A_200 : vector<16xi32>
      %xor3A_202 = arith.xori %get3A_196, %or3A_201 : vector<16xi32>
      %xor3A_203 = vector.broadcast %scan3A_102 : i32 to vector<16xi32>
      %xor3A_204 = arith.xori %xor3A_202, %xor3A_203 : vector<16xi32>
      %swap3A_205 = arith.index_cast %mul3A_194 : i32 to index
      %swap3A_206 = tpu.vector_load %arg5[%swap3A_205] {strides = array<i32>} : memref<8192xi32, #tpu.memory_space<vmem>>, vector<16xi32>,
      tpu.vector_store %arg5[%swap3A_205], %xor3A_204 {strides = array<i32>} : memref<8192xi32, #tpu.memory_space<vmem>>, vector<16xi32>,
      %and3A_207 = arith.constant 2047 : i32
      %and3A_208 = vector.broadcast %and3A_207 : i32 to vector<16xi32>
      %and3A_209 = arith.andi %xor3A_204, %and3A_208 : vector<16xi32>
      %broadcast_in_dim3A_210 = arith.constant true
      %broadcast_in_dim3A_211 = vector.broadcast %broadcast_in_dim3A_210 : i1 to vector<16xi1>
      %unique3A_212, %unique3A_213 = tpu.scan_count mask(%broadcast_in_dim3A_211 : vector<16xi1>) value(%and3A_209 : vector<16xi32>) : vector<16xi1>, vector<16xi32>
      tpu.vector_store_idx %arg11[%and3A_209], %unique3A_213 masked %unique3A_212 {add = true} : memref<2048xi32, #tpu.memory_space<vmem>>[vector<16xi32>], vector<16xi32>, vector<16xi1>
      %scan3A_214 = arith.constant 0 : i32
      scf.yield %scan3A_214 : i32
    }
    %scan3A_109 = arith.constant 256 : i32
    %scan3A_110 = arith.constant 0 : i32
    %scan3A_111 = arith.constant 0 : i32
    %scan3A_112 = arith.constant 128 : i32
    %scan3A_113 = arith.addi %scan3A_111, %scan3A_112 : i32
    %scan3A_114 = arith.constant 1 : i32
    %scan3A_115 = scf.for %scan3A_168 = %scan3A_111 to %scan3A_113 step %scan3A_114 iter_args(%scan3A_169 = %scan3A_110) -> (i32)  : i32 {
      %mul3A_170 = arith.constant 16 : i32
      %mul3A_171 = arith.muli %scan3A_168, %mul3A_170 : i32
      %swap3A = arith.index_cast %mul3A_171 : i32 to index
      %swap3A_172 = tpu.vector_load %arg12[%swap3A] {strides = array<i32>} : memref<2048xi32, #tpu.memory_space<vmem>>, vector<16xi32>,
      tpu.vector_store %arg12[%swap3A], %broadcast_in_dim3A_12 {strides = array<i32>} : memref<2048xi32, #tpu.memory_space<vmem>>, vector<16xi32>,
      %scan3A_173 = arith.constant 0 : i32
      scf.yield %scan3A_173 : i32
    }
    %scan3A_116 = arith.constant 128 : i32
    %scan3A_117 = arith.constant 0 : i32
    %scan3A_118 = arith.constant 0 : i32
    %scan3A_119 = arith.constant 128 : i32
    %scan3A_120 = arith.addi %scan3A_118, %scan3A_119 : i32
    %scan3A_121 = arith.constant 1 : i32
    %scan3A_122 = scf.for %scan3A_168 = %scan3A_118 to %scan3A_120 step %scan3A_121 iter_args(%scan3A_169 = %scan3A_117) -> (i32)  : i32 {
      %mul3A_170 = arith.constant 16 : i32
      %mul3A_171 = arith.muli %scan3A_168, %mul3A_170 : i32
      %get3A = arith.index_cast %mul3A_171 : i32 to index
      %get3A_172 = tpu.vector_load %arg11[%get3A] {strides = array<i32>} : memref<2048xi32, #tpu.memory_space<vmem>>, vector<16xi32>,
      %broadcast_in_dim3A_173 = arith.constant true
      %broadcast_in_dim3A_174 = vector.broadcast %broadcast_in_dim3A_173 : i1 to vector<16xi1>
      %masked_cumsum3A = tpu.scan <sum>, %get3A_172 masked %broadcast_in_dim3A_174 : vector<16xi32>, vector<16xi1> -> vector<16xi32>
      %sub3A = arith.subi %masked_cumsum3A, %get3A_172 : vector<16xi32>
      %add3A_175 = vector.broadcast %scan3A_169 : i32 to vector<16xi32>
      %add3A_176 = arith.addi %sub3A, %add3A_175 : vector<16xi32>
      %mul3A_177 = arith.constant 16 : i32
      %mul3A_178 = arith.muli %scan3A_168, %mul3A_177 : i32
      %swap3A = arith.index_cast %mul3A_178 : i32 to index
      %swap3A_179 = tpu.vector_load %arg11[%swap3A] {strides = array<i32>} : memref<2048xi32, #tpu.memory_space<vmem>>, vector<16xi32>,
      tpu.vector_store %arg11[%swap3A], %add3A_176 {strides = array<i32>} : memref<2048xi32, #tpu.memory_space<vmem>>, vector<16xi32>,
      %reduce_sum3A = arith.constant true
      %reduce_sum3A_180 = vector.broadcast %reduce_sum3A : i1 to vector<16xi1>
      %reduce_sum3A_181 = tpu.scan <sum>, %get3A_172 masked %reduce_sum3A_180 : vector<16xi32>, vector<16xi1> -> vector<16xi32>
      %reduce_sum3A_182 = vector.extract %reduce_sum3A_181[15] : i32 from vector<16xi32>
      %add3A_183 = arith.addi %scan3A_169, %reduce_sum3A_182 : i32
      scf.yield %add3A_183 : i32
    }
    %scan3A_123 = arith.constant 128 : i32
    %scan3A_124 = arith.constant 0 : i32
    %scan3A_125 = arith.constant 0 : i32
    %scan3A_126 = arith.constant 256 : i32
    %scan3A_127 = arith.addi %scan3A_125, %scan3A_126 : i32
    %scan3A_128 = arith.constant 1 : i32
    %scan3A_129 = scf.for %scan3A_168 = %scan3A_125 to %scan3A_127 step %scan3A_128 iter_args(%scan3A_169 = %scan3A_124) -> (i32)  : i32 {
      %mul3A_170 = arith.constant 2 : i32
      %mul3A_171 = arith.muli %mul3A_170, %scan3A_168 : i32
      %add3A_172 = arith.constant 0 : i32
      %add3A_173 = arith.addi %mul3A_171, %add3A_172 : i32
      %mul3A_174 = arith.constant 16 : i32
      %mul3A_175 = arith.muli %add3A_173, %mul3A_174 : i32
      %get3A = arith.index_cast %mul3A_175 : i32 to index
      %get3A_176 = tpu.vector_load %arg5[%get3A] {strides = array<i32>} : memref<8192xi32, #tpu.memory_space<vmem>>, vector<16xi32>,
      %add3A_177 = vector.broadcast %mul3A_175 : i32 to vector<16xi32>
      %add3A_178 = arith.addi %add3A_177, %iota3A : vector<16xi32>
      %and3A_179 = arith.constant 2047 : i32
      %and3A_180 = vector.broadcast %and3A_179 : i32 to vector<16xi32>
      %and3A_181 = arith.andi %get3A_176, %and3A_180 : vector<16xi32>
      %broadcast_in_dim3A_182 = arith.constant true
      %broadcast_in_dim3A_183 = vector.broadcast %broadcast_in_dim3A_182 : i1 to vector<16xi1>
      %unique3A, %unique3A_184 = tpu.scan_count mask(%broadcast_in_dim3A_183 : vector<16xi1>) value(%and3A_181 : vector<16xi32>) : vector<16xi1>, vector<16xi32>
      %gather3A = tpu.vector_load_idx %arg11[%and3A_181] : memref<2048xi32, #tpu.memory_space<vmem>>[vector<16xi32>], vector<16xi32>,
      %add3A_185 = arith.addi %gather3A, %unique3A_184 : vector<16xi32>
      %sub3A = arith.constant 1 : i32
      %sub3A_186 = vector.broadcast %sub3A : i32 to vector<16xi32>
      %sub3A_187 = arith.subi %add3A_185, %sub3A_186 : vector<16xi32>
      tpu.vector_store_idx %arg7[%sub3A_187], %get3A_176 : memref<8192xi32, #tpu.memory_space<vmem>>[vector<16xi32>], vector<16xi32>,
      tpu.vector_store_idx %arg8[%sub3A_187], %add3A_178 : memref<8192xi32, #tpu.memory_space<vmem>>[vector<16xi32>], vector<16xi32>,
      tpu.vector_store_idx %arg11[%and3A_181], %unique3A_184 masked %unique3A {add = true} : memref<2048xi32, #tpu.memory_space<vmem>>[vector<16xi32>], vector<16xi32>, vector<16xi1>
      %shift_right_logical3A = arith.constant 11 : i32
      %shift_right_logical3A_188 = vector.broadcast %shift_right_logical3A : i32 to vector<16xi32>
      %shift_right_logical3A_189 = arith.shrui %get3A_176, %shift_right_logical3A_188 : vector<16xi32>
      %and3A_190 = arith.constant 2047 : i32
      %and3A_191 = vector.broadcast %and3A_190 : i32 to vector<16xi32>
      %and3A_192 = arith.andi %shift_right_logical3A_189, %and3A_191 : vector<16xi32>
      %broadcast_in_dim3A_193 = arith.constant true
      %broadcast_in_dim3A_194 = vector.broadcast %broadcast_in_dim3A_193 : i1 to vector<16xi1>
      %unique3A_195, %unique3A_196 = tpu.scan_count mask(%broadcast_in_dim3A_194 : vector<16xi1>) value(%and3A_192 : vector<16xi32>) : vector<16xi1>, vector<16xi32>
      tpu.vector_store_idx %arg12[%and3A_192], %unique3A_196 masked %unique3A_195 {add = true} : memref<2048xi32, #tpu.memory_space<vmem>>[vector<16xi32>], vector<16xi32>, vector<16xi1>
      %mul3A_197 = arith.constant 2 : i32
      %mul3A_198 = arith.muli %mul3A_197, %scan3A_168 : i32
      %add3A_199 = arith.constant 1 : i32
      %add3A_200 = arith.addi %mul3A_198, %add3A_199 : i32
      %mul3A_201 = arith.constant 16 : i32
      %mul3A_202 = arith.muli %add3A_200, %mul3A_201 : i32
      %get3A_203 = arith.index_cast %mul3A_202 : i32 to index
      %get3A_204 = tpu.vector_load %arg5[%get3A_203] {strides = array<i32>} : memref<8192xi32, #tpu.memory_space<vmem>>, vector<16xi32>,
      %add3A_205 = vector.broadcast %mul3A_202 : i32 to vector<16xi32>
      %add3A_206 = arith.addi %add3A_205, %iota3A : vector<16xi32>
      %and3A_207 = arith.constant 2047 : i32
      %and3A_208 = vector.broadcast %and3A_207 : i32 to vector<16xi32>
      %and3A_209 = arith.andi %get3A_204, %and3A_208 : vector<16xi32>
      %broadcast_in_dim3A_210 = arith.constant true
      %broadcast_in_dim3A_211 = vector.broadcast %broadcast_in_dim3A_210 : i1 to vector<16xi1>
      %unique3A_212, %unique3A_213 = tpu.scan_count mask(%broadcast_in_dim3A_211 : vector<16xi1>) value(%and3A_209 : vector<16xi32>) : vector<16xi1>, vector<16xi32>
      %gather3A_214 = tpu.vector_load_idx %arg11[%and3A_209] : memref<2048xi32, #tpu.memory_space<vmem>>[vector<16xi32>], vector<16xi32>,
      %add3A_215 = arith.addi %gather3A_214, %unique3A_213 : vector<16xi32>
      %sub3A_216 = arith.constant 1 : i32
      %sub3A_217 = vector.broadcast %sub3A_216 : i32 to vector<16xi32>
      %sub3A_218 = arith.subi %add3A_215, %sub3A_217 : vector<16xi32>
      tpu.vector_store_idx %arg7[%sub3A_218], %get3A_204 : memref<8192xi32, #tpu.memory_space<vmem>>[vector<16xi32>], vector<16xi32>,
      tpu.vector_store_idx %arg8[%sub3A_218], %add3A_206 : memref<8192xi32, #tpu.memory_space<vmem>>[vector<16xi32>], vector<16xi32>,
      tpu.vector_store_idx %arg11[%and3A_209], %unique3A_213 masked %unique3A_212 {add = true} : memref<2048xi32, #tpu.memory_space<vmem>>[vector<16xi32>], vector<16xi32>, vector<16xi1>
      %shift_right_logical3A_219 = arith.constant 11 : i32
      %shift_right_logical3A_220 = vector.broadcast %shift_right_logical3A_219 : i32 to vector<16xi32>
      %shift_right_logical3A_221 = arith.shrui %get3A_204, %shift_right_logical3A_220 : vector<16xi32>
      %and3A_222 = arith.constant 2047 : i32
      %and3A_223 = vector.broadcast %and3A_222 : i32 to vector<16xi32>
      %and3A_224 = arith.andi %shift_right_logical3A_221, %and3A_223 : vector<16xi32>
      %broadcast_in_dim3A_225 = arith.constant true
      %broadcast_in_dim3A_226 = vector.broadcast %broadcast_in_dim3A_225 : i1 to vector<16xi1>
      %unique3A_227, %unique3A_228 = tpu.scan_count mask(%broadcast_in_dim3A_226 : vector<16xi1>) value(%and3A_224 : vector<16xi32>) : vector<16xi1>, vector<16xi32>
      tpu.vector_store_idx %arg12[%and3A_224], %unique3A_228 masked %unique3A_227 {add = true} : memref<2048xi32, #tpu.memory_space<vmem>>[vector<16xi32>], vector<16xi32>, vector<16xi1>
      %scan3A_229 = arith.constant 0 : i32
      scf.yield %scan3A_229 : i32
    }
    %scan3A_130 = arith.constant 256 : i32
    %scan3A_131 = arith.constant 0 : i32
    %scan3A_132 = arith.constant 0 : i32
    %scan3A_133 = arith.constant 64 : i32
    %scan3A_134 = arith.addi %scan3A_132, %scan3A_133 : i32
    %scan3A_135 = arith.constant 1 : i32
    %scan3A_136 = scf.for %scan3A_168 = %scan3A_132 to %scan3A_134 step %scan3A_135 iter_args(%scan3A_169 = %scan3A_131) -> (i32)  : i32 {
      %mul3A_170 = arith.constant 16 : i32
      %mul3A_171 = arith.muli %scan3A_168, %mul3A_170 : i32
      %swap3A = arith.index_cast %mul3A_171 : i32 to index
      %swap3A_172 = tpu.vector_load %arg11[%swap3A] {strides = array<i32>} : memref<2048xi32, #tpu.memory_space<vmem>>, vector<16xi32>,
      tpu.vector_store %arg11[%swap3A], %broadcast_in_dim3A_12 {strides = array<i32>} : memref<2048xi32, #tpu.memory_space<vmem>>, vector<16xi32>,
      %scan3A_173 = arith.constant 0 : i32
      scf.yield %scan3A_173 : i32
    }
    %scan3A_137 = arith.constant 64 : i32
    %scan3A_138 = arith.constant 0 : i32
    %scan3A_139 = arith.constant 0 : i32
    %scan3A_140 = arith.constant 128 : i32
    %scan3A_141 = arith.addi %scan3A_139, %scan3A_140 : i32
    %scan3A_142 = arith.constant 1 : i32
    %scan3A_143 = scf.for %scan3A_168 = %scan3A_139 to %scan3A_141 step %scan3A_142 iter_args(%scan3A_169 = %scan3A_138) -> (i32)  : i32 {
      %mul3A_170 = arith.constant 16 : i32
      %mul3A_171 = arith.muli %scan3A_168, %mul3A_170 : i32
      %get3A = arith.index_cast %mul3A_171 : i32 to index
      %get3A_172 = tpu.vector_load %arg12[%get3A] {strides = array<i32>} : memref<2048xi32, #tpu.memory_space<vmem>>, vector<16xi32>,
      %broadcast_in_dim3A_173 = arith.constant true
      %broadcast_in_dim3A_174 = vector.broadcast %broadcast_in_dim3A_173 : i1 to vector<16xi1>
      %masked_cumsum3A = tpu.scan <sum>, %get3A_172 masked %broadcast_in_dim3A_174 : vector<16xi32>, vector<16xi1> -> vector<16xi32>
      %sub3A = arith.subi %masked_cumsum3A, %get3A_172 : vector<16xi32>
      %add3A_175 = vector.broadcast %scan3A_169 : i32 to vector<16xi32>
      %add3A_176 = arith.addi %sub3A, %add3A_175 : vector<16xi32>
      %mul3A_177 = arith.constant 16 : i32
      %mul3A_178 = arith.muli %scan3A_168, %mul3A_177 : i32
      %swap3A = arith.index_cast %mul3A_178 : i32 to index
      %swap3A_179 = tpu.vector_load %arg12[%swap3A] {strides = array<i32>} : memref<2048xi32, #tpu.memory_space<vmem>>, vector<16xi32>,
      tpu.vector_store %arg12[%swap3A], %add3A_176 {strides = array<i32>} : memref<2048xi32, #tpu.memory_space<vmem>>, vector<16xi32>,
      %reduce_sum3A = arith.constant true
      %reduce_sum3A_180 = vector.broadcast %reduce_sum3A : i1 to vector<16xi1>
      %reduce_sum3A_181 = tpu.scan <sum>, %get3A_172 masked %reduce_sum3A_180 : vector<16xi32>, vector<16xi1> -> vector<16xi32>
      %reduce_sum3A_182 = vector.extract %reduce_sum3A_181[15] : i32 from vector<16xi32>
      %add3A_183 = arith.addi %scan3A_169, %reduce_sum3A_182 : i32
      scf.yield %add3A_183 : i32
    }
    %scan3A_144 = arith.constant 128 : i32
    %scan3A_145 = arith.constant 0 : i32
    %scan3A_146 = arith.constant 0 : i32
    %scan3A_147 = arith.constant 256 : i32
    %scan3A_148 = arith.addi %scan3A_146, %scan3A_147 : i32
    %scan3A_149 = arith.constant 1 : i32
    %scan3A_150 = scf.for %scan3A_168 = %scan3A_146 to %scan3A_148 step %scan3A_149 iter_args(%scan3A_169 = %scan3A_145) -> (i32)  : i32 {
      %mul3A_170 = arith.constant 2 : i32
      %mul3A_171 = arith.muli %mul3A_170, %scan3A_168 : i32
      %add3A_172 = arith.constant 0 : i32
      %add3A_173 = arith.addi %mul3A_171, %add3A_172 : i32
      %mul3A_174 = arith.constant 16 : i32
      %mul3A_175 = arith.muli %add3A_173, %mul3A_174 : i32
      %get3A = arith.index_cast %mul3A_175 : i32 to index
      %get3A_176 = tpu.vector_load %arg7[%get3A] {strides = array<i32>} : memref<8192xi32, #tpu.memory_space<vmem>>, vector<16xi32>,
      %get3A_177 = arith.index_cast %mul3A_175 : i32 to index
      %get3A_178 = tpu.vector_load %arg8[%get3A_177] {strides = array<i32>} : memref<8192xi32, #tpu.memory_space<vmem>>, vector<16xi32>,
      %shift_right_logical3A = arith.constant 11 : i32
      %shift_right_logical3A_179 = vector.broadcast %shift_right_logical3A : i32 to vector<16xi32>
      %shift_right_logical3A_180 = arith.shrui %get3A_176, %shift_right_logical3A_179 : vector<16xi32>
      %and3A_181 = arith.constant 2047 : i32
      %and3A_182 = vector.broadcast %and3A_181 : i32 to vector<16xi32>
      %and3A_183 = arith.andi %shift_right_logical3A_180, %and3A_182 : vector<16xi32>
      %broadcast_in_dim3A_184 = arith.constant true
      %broadcast_in_dim3A_185 = vector.broadcast %broadcast_in_dim3A_184 : i1 to vector<16xi1>
      %unique3A, %unique3A_186 = tpu.scan_count mask(%broadcast_in_dim3A_185 : vector<16xi1>) value(%and3A_183 : vector<16xi32>) : vector<16xi1>, vector<16xi32>
      %gather3A = tpu.vector_load_idx %arg12[%and3A_183] : memref<2048xi32, #tpu.memory_space<vmem>>[vector<16xi32>], vector<16xi32>,
      %add3A_187 = arith.addi %gather3A, %unique3A_186 : vector<16xi32>
      %sub3A = arith.constant 1 : i32
      %sub3A_188 = vector.broadcast %sub3A : i32 to vector<16xi32>
      %sub3A_189 = arith.subi %add3A_187, %sub3A_188 : vector<16xi32>
      tpu.vector_store_idx %arg5[%sub3A_189], %get3A_176 : memref<8192xi32, #tpu.memory_space<vmem>>[vector<16xi32>], vector<16xi32>,
      tpu.vector_store_idx %arg6[%sub3A_189], %get3A_178 : memref<8192xi32, #tpu.memory_space<vmem>>[vector<16xi32>], vector<16xi32>,
      tpu.vector_store_idx %arg12[%and3A_183], %unique3A_186 masked %unique3A {add = true} : memref<2048xi32, #tpu.memory_space<vmem>>[vector<16xi32>], vector<16xi32>, vector<16xi1>
      %shift_right_logical3A_190 = arith.constant 22 : i32
      %shift_right_logical3A_191 = vector.broadcast %shift_right_logical3A_190 : i32 to vector<16xi32>
      %shift_right_logical3A_192 = arith.shrui %get3A_176, %shift_right_logical3A_191 : vector<16xi32>
      %and3A_193 = arith.constant 1023 : i32
      %and3A_194 = vector.broadcast %and3A_193 : i32 to vector<16xi32>
      %and3A_195 = arith.andi %shift_right_logical3A_192, %and3A_194 : vector<16xi32>
      %broadcast_in_dim3A_196 = arith.constant true
      %broadcast_in_dim3A_197 = vector.broadcast %broadcast_in_dim3A_196 : i1 to vector<16xi1>
      %unique3A_198, %unique3A_199 = tpu.scan_count mask(%broadcast_in_dim3A_197 : vector<16xi1>) value(%and3A_195 : vector<16xi32>) : vector<16xi1>, vector<16xi32>
      tpu.vector_store_idx %arg11[%and3A_195], %unique3A_199 masked %unique3A_198 {add = true} : memref<2048xi32, #tpu.memory_space<vmem>>[vector<16xi32>], vector<16xi32>, vector<16xi1>
      %mul3A_200 = arith.constant 2 : i32
      %mul3A_201 = arith.muli %mul3A_200, %scan3A_168 : i32
      %add3A_202 = arith.constant 1 : i32
      %add3A_203 = arith.addi %mul3A_201, %add3A_202 : i32
      %mul3A_204 = arith.constant 16 : i32
      %mul3A_205 = arith.muli %add3A_203, %mul3A_204 : i32
      %get3A_206 = arith.index_cast %mul3A_205 : i32 to index
      %get3A_207 = tpu.vector_load %arg7[%get3A_206] {strides = array<i32>} : memref<8192xi32, #tpu.memory_space<vmem>>, vector<16xi32>,
      %get3A_208 = arith.index_cast %mul3A_205 : i32 to index
      %get3A_209 = tpu.vector_load %arg8[%get3A_208] {strides = array<i32>} : memref<8192xi32, #tpu.memory_space<vmem>>, vector<16xi32>,
      %shift_right_logical3A_210 = arith.constant 11 : i32
      %shift_right_logical3A_211 = vector.broadcast %shift_right_logical3A_210 : i32 to vector<16xi32>
      %shift_right_logical3A_212 = arith.shrui %get3A_207, %shift_right_logical3A_211 : vector<16xi32>
      %and3A_213 = arith.constant 2047 : i32
      %and3A_214 = vector.broadcast %and3A_213 : i32 to vector<16xi32>
      %and3A_215 = arith.andi %shift_right_logical3A_212, %and3A_214 : vector<16xi32>
      %broadcast_in_dim3A_216 = arith.constant true
      %broadcast_in_dim3A_217 = vector.broadcast %broadcast_in_dim3A_216 : i1 to vector<16xi1>
      %unique3A_218, %unique3A_219 = tpu.scan_count mask(%broadcast_in_dim3A_217 : vector<16xi1>) value(%and3A_215 : vector<16xi32>) : vector<16xi1>, vector<16xi32>
      %gather3A_220 = tpu.vector_load_idx %arg12[%and3A_215] : memref<2048xi32, #tpu.memory_space<vmem>>[vector<16xi32>], vector<16xi32>,
      %add3A_221 = arith.addi %gather3A_220, %unique3A_219 : vector<16xi32>
      %sub3A_222 = arith.constant 1 : i32
      %sub3A_223 = vector.broadcast %sub3A_222 : i32 to vector<16xi32>
      %sub3A_224 = arith.subi %add3A_221, %sub3A_223 : vector<16xi32>
      tpu.vector_store_idx %arg5[%sub3A_224], %get3A_207 : memref<8192xi32, #tpu.memory_space<vmem>>[vector<16xi32>], vector<16xi32>,
      tpu.vector_store_idx %arg6[%sub3A_224], %get3A_209 : memref<8192xi32, #tpu.memory_space<vmem>>[vector<16xi32>], vector<16xi32>,
      tpu.vector_store_idx %arg12[%and3A_215], %unique3A_219 masked %unique3A_218 {add = true} : memref<2048xi32, #tpu.memory_space<vmem>>[vector<16xi32>], vector<16xi32>, vector<16xi1>
      %shift_right_logical3A_225 = arith.constant 22 : i32
      %shift_right_logical3A_226 = vector.broadcast %shift_right_logical3A_225 : i32 to vector<16xi32>
      %shift_right_logical3A_227 = arith.shrui %get3A_207, %shift_right_logical3A_226 : vector<16xi32>
      %and3A_228 = arith.constant 1023 : i32
      %and3A_229 = vector.broadcast %and3A_228 : i32 to vector<16xi32>
      %and3A_230 = arith.andi %shift_right_logical3A_227, %and3A_229 : vector<16xi32>
      %broadcast_in_dim3A_231 = arith.constant true
      %broadcast_in_dim3A_232 = vector.broadcast %broadcast_in_dim3A_231 : i1 to vector<16xi1>
      %unique3A_233, %unique3A_234 = tpu.scan_count mask(%broadcast_in_dim3A_232 : vector<16xi1>) value(%and3A_230 : vector<16xi32>) : vector<16xi1>, vector<16xi32>
      tpu.vector_store_idx %arg11[%and3A_230], %unique3A_234 masked %unique3A_233 {add = true} : memref<2048xi32, #tpu.memory_space<vmem>>[vector<16xi32>], vector<16xi32>, vector<16xi1>
      %scan3A_235 = arith.constant 0 : i32
      scf.yield %scan3A_235 : i32
    }
    %scan3A_151 = arith.constant 256 : i32
    %scan3A_152 = arith.constant 0 : i32
    %scan3A_153 = arith.constant 0 : i32
    %scan3A_154 = arith.constant 64 : i32
    %scan3A_155 = arith.addi %scan3A_153, %scan3A_154 : i32
    %scan3A_156 = arith.constant 1 : i32
    %scan3A_157 = scf.for %scan3A_168 = %scan3A_153 to %scan3A_155 step %scan3A_156 iter_args(%scan3A_169 = %scan3A_152) -> (i32)  : i32 {
      %mul3A_170 = arith.constant 16 : i32
      %mul3A_171 = arith.muli %scan3A_168, %mul3A_170 : i32
      %get3A = arith.index_cast %mul3A_171 : i32 to index
      %get3A_172 = tpu.vector_load %arg11[%get3A] {strides = array<i32>} : memref<2048xi32, #tpu.memory_space<vmem>>, vector<16xi32>,
      %broadcast_in_dim3A_173 = arith.constant true
      %broadcast_in_dim3A_174 = vector.broadcast %broadcast_in_dim3A_173 : i1 to vector<16xi1>
      %masked_cumsum3A = tpu.scan <sum>, %get3A_172 masked %broadcast_in_dim3A_174 : vector<16xi32>, vector<16xi1> -> vector<16xi32>
      %sub3A = arith.subi %masked_cumsum3A, %get3A_172 : vector<16xi32>
      %add3A_175 = vector.broadcast %scan3A_169 : i32 to vector<16xi32>
      %add3A_176 = arith.addi %sub3A, %add3A_175 : vector<16xi32>
      %mul3A_177 = arith.constant 16 : i32
      %mul3A_178 = arith.muli %scan3A_168, %mul3A_177 : i32
      %swap3A = arith.index_cast %mul3A_178 : i32 to index
      %swap3A_179 = tpu.vector_load %arg11[%swap3A] {strides = array<i32>} : memref<2048xi32, #tpu.memory_space<vmem>>, vector<16xi32>,
      tpu.vector_store %arg11[%swap3A], %add3A_176 {strides = array<i32>} : memref<2048xi32, #tpu.memory_space<vmem>>, vector<16xi32>,
      %reduce_sum3A = arith.constant true
      %reduce_sum3A_180 = vector.broadcast %reduce_sum3A : i1 to vector<16xi1>
      %reduce_sum3A_181 = tpu.scan <sum>, %get3A_172 masked %reduce_sum3A_180 : vector<16xi32>, vector<16xi1> -> vector<16xi32>
      %reduce_sum3A_182 = vector.extract %reduce_sum3A_181[15] : i32 from vector<16xi32>
      %add3A_183 = arith.addi %scan3A_169, %reduce_sum3A_182 : i32
      scf.yield %add3A_183 : i32
    }
    %scan3A_158 = arith.constant 64 : i32
    %scan3A_159 = arith.constant 0 : i32
    %scan3A_160 = arith.constant 0 : i32
    %scan3A_161 = arith.constant 256 : i32
    %scan3A_162 = arith.addi %scan3A_160, %scan3A_161 : i32
    %scan3A_163 = arith.constant 1 : i32
    %scan3A_164 = scf.for %scan3A_168 = %scan3A_160 to %scan3A_162 step %scan3A_163 iter_args(%scan3A_169 = %scan3A_159) -> (i32)  : i32 {
      %mul3A_170 = arith.constant 2 : i32
      %mul3A_171 = arith.muli %mul3A_170, %scan3A_168 : i32
      %add3A_172 = arith.constant 0 : i32
      %add3A_173 = arith.addi %mul3A_171, %add3A_172 : i32
      %mul3A_174 = arith.constant 16 : i32
      %mul3A_175 = arith.muli %add3A_173, %mul3A_174 : i32
      %get3A = arith.index_cast %mul3A_175 : i32 to index
      %get3A_176 = tpu.vector_load %arg5[%get3A] {strides = array<i32>} : memref<8192xi32, #tpu.memory_space<vmem>>, vector<16xi32>,
      %get3A_177 = arith.index_cast %mul3A_175 : i32 to index
      %get3A_178 = tpu.vector_load %arg6[%get3A_177] {strides = array<i32>} : memref<8192xi32, #tpu.memory_space<vmem>>, vector<16xi32>,
      %shift_right_logical3A = arith.constant 22 : i32
      %shift_right_logical3A_179 = vector.broadcast %shift_right_logical3A : i32 to vector<16xi32>
      %shift_right_logical3A_180 = arith.shrui %get3A_176, %shift_right_logical3A_179 : vector<16xi32>
      %and3A_181 = arith.constant 1023 : i32
      %and3A_182 = vector.broadcast %and3A_181 : i32 to vector<16xi32>
      %and3A_183 = arith.andi %shift_right_logical3A_180, %and3A_182 : vector<16xi32>
      %broadcast_in_dim3A_184 = arith.constant true
      %broadcast_in_dim3A_185 = vector.broadcast %broadcast_in_dim3A_184 : i1 to vector<16xi1>
      %unique3A, %unique3A_186 = tpu.scan_count mask(%broadcast_in_dim3A_185 : vector<16xi1>) value(%and3A_183 : vector<16xi32>) : vector<16xi1>, vector<16xi32>
      %gather3A = tpu.vector_load_idx %arg11[%and3A_183] : memref<2048xi32, #tpu.memory_space<vmem>>[vector<16xi32>], vector<16xi32>,
      %add3A_187 = arith.addi %gather3A, %unique3A_186 : vector<16xi32>
      %sub3A = arith.constant 1 : i32
      %sub3A_188 = vector.broadcast %sub3A : i32 to vector<16xi32>
      %sub3A_189 = arith.subi %add3A_187, %sub3A_188 : vector<16xi32>
      %gather3A_190 = tpu.vector_load_idx %arg9[%sub3A_189] : memref<8192xf32, #tpu.memory_space<vmem>>[vector<16xi32>], vector<16xf32>,
      tpu.vector_store_idx %arg10[%get3A_178], %gather3A_190 : memref<8192xf32, #tpu.memory_space<vmem>>[vector<16xi32>], vector<16xf32>,
      tpu.vector_store_idx %arg11[%and3A_183], %unique3A_186 masked %unique3A {add = true} : memref<2048xi32, #tpu.memory_space<vmem>>[vector<16xi32>], vector<16xi32>, vector<16xi1>
      %mul3A_191 = arith.constant 2 : i32
      %mul3A_192 = arith.muli %mul3A_191, %scan3A_168 : i32
      %add3A_193 = arith.constant 1 : i32
      %add3A_194 = arith.addi %mul3A_192, %add3A_193 : i32
      %mul3A_195 = arith.constant 16 : i32
      %mul3A_196 = arith.muli %add3A_194, %mul3A_195 : i32
      %get3A_197 = arith.index_cast %mul3A_196 : i32 to index
      %get3A_198 = tpu.vector_load %arg5[%get3A_197] {strides = array<i32>} : memref<8192xi32, #tpu.memory_space<vmem>>, vector<16xi32>,
      %get3A_199 = arith.index_cast %mul3A_196 : i32 to index
      %get3A_200 = tpu.vector_load %arg6[%get3A_199] {strides = array<i32>} : memref<8192xi32, #tpu.memory_space<vmem>>, vector<16xi32>,
      %shift_right_logical3A_201 = arith.constant 22 : i32
      %shift_right_logical3A_202 = vector.broadcast %shift_right_logical3A_201 : i32 to vector<16xi32>
      %shift_right_logical3A_203 = arith.shrui %get3A_198, %shift_right_logical3A_202 : vector<16xi32>
      %and3A_204 = arith.constant 1023 : i32
      %and3A_205 = vector.broadcast %and3A_204 : i32 to vector<16xi32>
      %and3A_206 = arith.andi %shift_right_logical3A_203, %and3A_205 : vector<16xi32>
      %broadcast_in_dim3A_207 = arith.constant true
      %broadcast_in_dim3A_208 = vector.broadcast %broadcast_in_dim3A_207 : i1 to vector<16xi1>
      %unique3A_209, %unique3A_210 = tpu.scan_count mask(%broadcast_in_dim3A_208 : vector<16xi1>) value(%and3A_206 : vector<16xi32>) : vector<16xi1>, vector<16xi32>
      %gather3A_211 = tpu.vector_load_idx %arg11[%and3A_206] : memref<2048xi32, #tpu.memory_space<vmem>>[vector<16xi32>], vector<16xi32>,
      %add3A_212 = arith.addi %gather3A_211, %unique3A_210 : vector<16xi32>
      %sub3A_213 = arith.constant 1 : i32
      %sub3A_214 = vector.broadcast %sub3A_213 : i32 to vector<16xi32>
      %sub3A_215 = arith.subi %add3A_212, %sub3A_214 : vector<16xi32>
      %gather3A_216 = tpu.vector_load_idx %arg9[%sub3A_215] : memref<8192xf32, #tpu.memory_space<vmem>>[vector<16xi32>], vector<16xf32>,
      tpu.vector_store_idx %arg10[%get3A_200], %gather3A_216 : memref<8192xf32, #tpu.memory_space<vmem>>[vector<16xi32>], vector<16xf32>,
      tpu.vector_store_idx %arg11[%and3A_206], %unique3A_210 masked %unique3A_209 {add = true} : memref<2048xi32, #tpu.memory_space<vmem>>[vector<16xi32>], vector<16xi32>, vector<16xi1>
      %scan3A_217 = arith.constant 0 : i32
      scf.yield %scan3A_217 : i32
    }
    %scan3A_165 = arith.constant 256 : i32
    %mul3A_166 = arith.constant 8192 : i32
    %mul3A_167 = arith.muli %add3A_91, %mul3A_166 : i32
    "tpu.region"() ({
      %run_scoped3A = tpu.sem_alloc : memref<!tpu.dma_semaphore, #tpu.memory_space<semaphore_mem>>
      %dma_start3A = tpu.memref_slice %arg4[%mul3A_167] : memref<524288xf32, #tpu.memory_space<hbm>> -> memref<8192xf32, #tpu.memory_space<hbm>>
      %dma_start3A_168 = tpu.memref_slice %arg4[%mul3A_167] : memref<524288xf32, #tpu.memory_space<hbm>> -> memref<8192xf32, #tpu.memory_space<hbm>>
      tpu.enqueue_dma source(%arg10 : memref<8192xf32, #tpu.memory_space<vmem>>) target(%dma_start3A_168 : memref<8192xf32, #tpu.memory_space<hbm>>) target_semaphore(%run_scoped3A : memref<!tpu.dma_semaphore, #tpu.memory_space<semaphore_mem>>)
      %dma_wait3A = tpu.memref_slice %arg4[%mul3A_167] : memref<524288xf32, #tpu.memory_space<hbm>> -> memref<8192xf32, #tpu.memory_space<hbm>>
      %dma_wait3A_169 = tpu.memref_slice %arg4[%mul3A_167] : memref<524288xf32, #tpu.memory_space<hbm>> -> memref<8192xf32, #tpu.memory_space<hbm>>
      tpu.wait_dma2 semaphore(%run_scoped3A : memref<!tpu.dma_semaphore, #tpu.memory_space<semaphore_mem>>) src(%arg10 : memref<8192xf32, #tpu.memory_space<vmem>>) dst(%dma_wait3A_169 : memref<8192xf32, #tpu.memory_space<hbm>>)
      tpu.yield
    }) : () -> ()
    return
  }
}

module attributes {stable_mosaic.version = 14 : i64} {
  func.func @_dense_body(%arg0: i32, %arg1: i32, %arg2: memref<1x16x32x1024xf32, #tpu.memory_space<vmem>>, %arg3: memref<1x16x1024xf32, #tpu.memory_space<vmem>>, %arg4: memref<1x16xf32, #tpu.memory_space<smem>>, %arg5: memref<1x1x1024xf32, #tpu.memory_space<vmem>>, %arg6: memref<1x1x1024xi32, #tpu.memory_space<vmem>>) attributes {dimension_semantics = [#tpu.dimension_semantics<arbitrary>, #tpu.dimension_semantics<arbitrary>], iteration_bounds = array<i64: 4, 8>, scalar_prefetch = 0 : i64, scratch_operands = 0 : i64, tpu.core_type = #tpu.core_type<tc>, window_params = [{transform_indices = @transform_0, window_bounds = array<i64: 1, 16, 32, 1024>}, {transform_indices = @transform_1, window_bounds = array<i64: 1, 16, 1024>}, {transform_indices = @transform_2, window_bounds = array<i64: 1, 16>}, {transform_indices = @transform_3, window_bounds = array<i64: 1, 1, 1024>}, {transform_indices = @transform_4, window_bounds = array<i64: 1, 1, 1024>}]} {
    %get3A = arith.constant 0 : index
    %get3A_0 = arith.constant 0 : index
    %get3A_1 = arith.constant 0 : index
    %get3A_2 = arith.constant 0 : index
    %get3A_3 = vector.load %arg2[%get3A, %get3A_0, %get3A_1, %get3A_2] : memref<1x16x32x1024xf32, #tpu.memory_space<vmem>>, vector<1x1x32x1024xf32>
    %get3A_4 = vector.shape_cast %get3A_3 : vector<1x1x32x1024xf32> to vector<32x1024xf32>
    %get3A_5 = arith.constant 0 : index
    %get3A_6 = arith.constant 0 : index
    %get3A_7 = arith.constant 0 : index
    %get3A_8 = vector.load %arg3[%get3A_5, %get3A_6, %get3A_7] : memref<1x16x1024xf32, #tpu.memory_space<vmem>>, vector<1x1x1024xf32>
    %get3A_9 = vector.shape_cast %get3A_8 : vector<1x1x1024xf32> to vector<1024xf32>
    %broadcast_in_dim3A = vector.shape_cast %get3A_9 : vector<1024xf32> to vector<1x1024xf32>
    %sub3A = vector.broadcast %broadcast_in_dim3A : vector<1x1024xf32> to vector<32x1024xf32>
    %sub3A_10 = arith.subf %get3A_4, %sub3A : vector<32x1024xf32>
    %convert_element_type3A = arith.truncf %sub3A_10 : vector<32x1024xf32> to vector<32x1024xbf16>
    %convert_element_type3A_11 = arith.extf %convert_element_type3A : vector<32x1024xbf16> to vector<32x1024xf32>
    %get3A_12 = arith.constant 0 : index
    %get3A_13 = arith.constant 0 : index
    %get3A_14 = memref.load %arg4[%get3A_12, %get3A_13] : memref<1x16xf32, #tpu.memory_space<smem>>
    %mul3A = vector.broadcast %get3A_14 : f32 to vector<32x1024xf32>
    %mul3A_15 = arith.mulf %convert_element_type3A_11, %mul3A : vector<32x1024xf32>
    %get3A_16 = arith.constant 0 : index
    %get3A_17 = arith.constant 1 : index
    %get3A_18 = arith.constant 0 : index
    %get3A_19 = arith.constant 0 : index
    %get3A_20 = vector.load %arg2[%get3A_16, %get3A_17, %get3A_18, %get3A_19] : memref<1x16x32x1024xf32, #tpu.memory_space<vmem>>, vector<1x1x32x1024xf32>
    %get3A_21 = vector.shape_cast %get3A_20 : vector<1x1x32x1024xf32> to vector<32x1024xf32>
    %get3A_22 = arith.constant 0 : index
    %get3A_23 = arith.constant 1 : index
    %get3A_24 = arith.constant 0 : index
    %get3A_25 = vector.load %arg3[%get3A_22, %get3A_23, %get3A_24] : memref<1x16x1024xf32, #tpu.memory_space<vmem>>, vector<1x1x1024xf32>
    %get3A_26 = vector.shape_cast %get3A_25 : vector<1x1x1024xf32> to vector<1024xf32>
    %broadcast_in_dim3A_27 = vector.shape_cast %get3A_26 : vector<1024xf32> to vector<1x1024xf32>
    %sub3A_28 = vector.broadcast %broadcast_in_dim3A_27 : vector<1x1024xf32> to vector<32x1024xf32>
    %sub3A_29 = arith.subf %get3A_21, %sub3A_28 : vector<32x1024xf32>
    %convert_element_type3A_30 = arith.truncf %sub3A_29 : vector<32x1024xf32> to vector<32x1024xbf16>
    %convert_element_type3A_31 = arith.extf %convert_element_type3A_30 : vector<32x1024xbf16> to vector<32x1024xf32>
    %get3A_32 = arith.constant 0 : index
    %get3A_33 = arith.constant 1 : index
    %get3A_34 = memref.load %arg4[%get3A_32, %get3A_33] : memref<1x16xf32, #tpu.memory_space<smem>>
    %mul3A_35 = vector.broadcast %get3A_34 : f32 to vector<32x1024xf32>
    %mul3A_36 = arith.mulf %convert_element_type3A_31, %mul3A_35 : vector<32x1024xf32>
    %add3A = arith.addf %mul3A_15, %mul3A_36 : vector<32x1024xf32>
    %get3A_37 = arith.constant 0 : index
    %get3A_38 = arith.constant 2 : index
    %get3A_39 = arith.constant 0 : index
    %get3A_40 = arith.constant 0 : index
    %get3A_41 = vector.load %arg2[%get3A_37, %get3A_38, %get3A_39, %get3A_40] : memref<1x16x32x1024xf32, #tpu.memory_space<vmem>>, vector<1x1x32x1024xf32>
    %get3A_42 = vector.shape_cast %get3A_41 : vector<1x1x32x1024xf32> to vector<32x1024xf32>
    %get3A_43 = arith.constant 0 : index
    %get3A_44 = arith.constant 2 : index
    %get3A_45 = arith.constant 0 : index
    %get3A_46 = vector.load %arg3[%get3A_43, %get3A_44, %get3A_45] : memref<1x16x1024xf32, #tpu.memory_space<vmem>>, vector<1x1x1024xf32>
    %get3A_47 = vector.shape_cast %get3A_46 : vector<1x1x1024xf32> to vector<1024xf32>
    %broadcast_in_dim3A_48 = vector.shape_cast %get3A_47 : vector<1024xf32> to vector<1x1024xf32>
    %sub3A_49 = vector.broadcast %broadcast_in_dim3A_48 : vector<1x1024xf32> to vector<32x1024xf32>
    %sub3A_50 = arith.subf %get3A_42, %sub3A_49 : vector<32x1024xf32>
    %convert_element_type3A_51 = arith.truncf %sub3A_50 : vector<32x1024xf32> to vector<32x1024xbf16>
    %convert_element_type3A_52 = arith.extf %convert_element_type3A_51 : vector<32x1024xbf16> to vector<32x1024xf32>
    %get3A_53 = arith.constant 0 : index
    %get3A_54 = arith.constant 2 : index
    %get3A_55 = memref.load %arg4[%get3A_53, %get3A_54] : memref<1x16xf32, #tpu.memory_space<smem>>
    %mul3A_56 = vector.broadcast %get3A_55 : f32 to vector<32x1024xf32>
    %mul3A_57 = arith.mulf %convert_element_type3A_52, %mul3A_56 : vector<32x1024xf32>
    %add3A_58 = arith.addf %add3A, %mul3A_57 : vector<32x1024xf32>
    %get3A_59 = arith.constant 0 : index
    %get3A_60 = arith.constant 3 : index
    %get3A_61 = arith.constant 0 : index
    %get3A_62 = arith.constant 0 : index
    %get3A_63 = vector.load %arg2[%get3A_59, %get3A_60, %get3A_61, %get3A_62] : memref<1x16x32x1024xf32, #tpu.memory_space<vmem>>, vector<1x1x32x1024xf32>
    %get3A_64 = vector.shape_cast %get3A_63 : vector<1x1x32x1024xf32> to vector<32x1024xf32>
    %get3A_65 = arith.constant 0 : index
    %get3A_66 = arith.constant 3 : index
    %get3A_67 = arith.constant 0 : index
    %get3A_68 = vector.load %arg3[%get3A_65, %get3A_66, %get3A_67] : memref<1x16x1024xf32, #tpu.memory_space<vmem>>, vector<1x1x1024xf32>
    %get3A_69 = vector.shape_cast %get3A_68 : vector<1x1x1024xf32> to vector<1024xf32>
    %broadcast_in_dim3A_70 = vector.shape_cast %get3A_69 : vector<1024xf32> to vector<1x1024xf32>
    %sub3A_71 = vector.broadcast %broadcast_in_dim3A_70 : vector<1x1024xf32> to vector<32x1024xf32>
    %sub3A_72 = arith.subf %get3A_64, %sub3A_71 : vector<32x1024xf32>
    %convert_element_type3A_73 = arith.truncf %sub3A_72 : vector<32x1024xf32> to vector<32x1024xbf16>
    %convert_element_type3A_74 = arith.extf %convert_element_type3A_73 : vector<32x1024xbf16> to vector<32x1024xf32>
    %get3A_75 = arith.constant 0 : index
    %get3A_76 = arith.constant 3 : index
    %get3A_77 = memref.load %arg4[%get3A_75, %get3A_76] : memref<1x16xf32, #tpu.memory_space<smem>>
    %mul3A_78 = vector.broadcast %get3A_77 : f32 to vector<32x1024xf32>
    %mul3A_79 = arith.mulf %convert_element_type3A_74, %mul3A_78 : vector<32x1024xf32>
    %add3A_80 = arith.addf %add3A_58, %mul3A_79 : vector<32x1024xf32>
    %get3A_81 = arith.constant 0 : index
    %get3A_82 = arith.constant 4 : index
    %get3A_83 = arith.constant 0 : index
    %get3A_84 = arith.constant 0 : index
    %get3A_85 = vector.load %arg2[%get3A_81, %get3A_82, %get3A_83, %get3A_84] : memref<1x16x32x1024xf32, #tpu.memory_space<vmem>>, vector<1x1x32x1024xf32>
    %get3A_86 = vector.shape_cast %get3A_85 : vector<1x1x32x1024xf32> to vector<32x1024xf32>
    %get3A_87 = arith.constant 0 : index
    %get3A_88 = arith.constant 4 : index
    %get3A_89 = arith.constant 0 : index
    %get3A_90 = vector.load %arg3[%get3A_87, %get3A_88, %get3A_89] : memref<1x16x1024xf32, #tpu.memory_space<vmem>>, vector<1x1x1024xf32>
    %get3A_91 = vector.shape_cast %get3A_90 : vector<1x1x1024xf32> to vector<1024xf32>
    %broadcast_in_dim3A_92 = vector.shape_cast %get3A_91 : vector<1024xf32> to vector<1x1024xf32>
    %sub3A_93 = vector.broadcast %broadcast_in_dim3A_92 : vector<1x1024xf32> to vector<32x1024xf32>
    %sub3A_94 = arith.subf %get3A_86, %sub3A_93 : vector<32x1024xf32>
    %convert_element_type3A_95 = arith.truncf %sub3A_94 : vector<32x1024xf32> to vector<32x1024xbf16>
    %convert_element_type3A_96 = arith.extf %convert_element_type3A_95 : vector<32x1024xbf16> to vector<32x1024xf32>
    %get3A_97 = arith.constant 0 : index
    %get3A_98 = arith.constant 4 : index
    %get3A_99 = memref.load %arg4[%get3A_97, %get3A_98] : memref<1x16xf32, #tpu.memory_space<smem>>
    %mul3A_100 = vector.broadcast %get3A_99 : f32 to vector<32x1024xf32>
    %mul3A_101 = arith.mulf %convert_element_type3A_96, %mul3A_100 : vector<32x1024xf32>
    %add3A_102 = arith.addf %add3A_80, %mul3A_101 : vector<32x1024xf32>
    %get3A_103 = arith.constant 0 : index
    %get3A_104 = arith.constant 5 : index
    %get3A_105 = arith.constant 0 : index
    %get3A_106 = arith.constant 0 : index
    %get3A_107 = vector.load %arg2[%get3A_103, %get3A_104, %get3A_105, %get3A_106] : memref<1x16x32x1024xf32, #tpu.memory_space<vmem>>, vector<1x1x32x1024xf32>
    %get3A_108 = vector.shape_cast %get3A_107 : vector<1x1x32x1024xf32> to vector<32x1024xf32>
    %get3A_109 = arith.constant 0 : index
    %get3A_110 = arith.constant 5 : index
    %get3A_111 = arith.constant 0 : index
    %get3A_112 = vector.load %arg3[%get3A_109, %get3A_110, %get3A_111] : memref<1x16x1024xf32, #tpu.memory_space<vmem>>, vector<1x1x1024xf32>
    %get3A_113 = vector.shape_cast %get3A_112 : vector<1x1x1024xf32> to vector<1024xf32>
    %broadcast_in_dim3A_114 = vector.shape_cast %get3A_113 : vector<1024xf32> to vector<1x1024xf32>
    %sub3A_115 = vector.broadcast %broadcast_in_dim3A_114 : vector<1x1024xf32> to vector<32x1024xf32>
    %sub3A_116 = arith.subf %get3A_108, %sub3A_115 : vector<32x1024xf32>
    %convert_element_type3A_117 = arith.truncf %sub3A_116 : vector<32x1024xf32> to vector<32x1024xbf16>
    %convert_element_type3A_118 = arith.extf %convert_element_type3A_117 : vector<32x1024xbf16> to vector<32x1024xf32>
    %get3A_119 = arith.constant 0 : index
    %get3A_120 = arith.constant 5 : index
    %get3A_121 = memref.load %arg4[%get3A_119, %get3A_120] : memref<1x16xf32, #tpu.memory_space<smem>>
    %mul3A_122 = vector.broadcast %get3A_121 : f32 to vector<32x1024xf32>
    %mul3A_123 = arith.mulf %convert_element_type3A_118, %mul3A_122 : vector<32x1024xf32>
    %add3A_124 = arith.addf %add3A_102, %mul3A_123 : vector<32x1024xf32>
    %get3A_125 = arith.constant 0 : index
    %get3A_126 = arith.constant 6 : index
    %get3A_127 = arith.constant 0 : index
    %get3A_128 = arith.constant 0 : index
    %get3A_129 = vector.load %arg2[%get3A_125, %get3A_126, %get3A_127, %get3A_128] : memref<1x16x32x1024xf32, #tpu.memory_space<vmem>>, vector<1x1x32x1024xf32>
    %get3A_130 = vector.shape_cast %get3A_129 : vector<1x1x32x1024xf32> to vector<32x1024xf32>
    %get3A_131 = arith.constant 0 : index
    %get3A_132 = arith.constant 6 : index
    %get3A_133 = arith.constant 0 : index
    %get3A_134 = vector.load %arg3[%get3A_131, %get3A_132, %get3A_133] : memref<1x16x1024xf32, #tpu.memory_space<vmem>>, vector<1x1x1024xf32>
    %get3A_135 = vector.shape_cast %get3A_134 : vector<1x1x1024xf32> to vector<1024xf32>
    %broadcast_in_dim3A_136 = vector.shape_cast %get3A_135 : vector<1024xf32> to vector<1x1024xf32>
    %sub3A_137 = vector.broadcast %broadcast_in_dim3A_136 : vector<1x1024xf32> to vector<32x1024xf32>
    %sub3A_138 = arith.subf %get3A_130, %sub3A_137 : vector<32x1024xf32>
    %convert_element_type3A_139 = arith.truncf %sub3A_138 : vector<32x1024xf32> to vector<32x1024xbf16>
    %convert_element_type3A_140 = arith.extf %convert_element_type3A_139 : vector<32x1024xbf16> to vector<32x1024xf32>
    %get3A_141 = arith.constant 0 : index
    %get3A_142 = arith.constant 6 : index
    %get3A_143 = memref.load %arg4[%get3A_141, %get3A_142] : memref<1x16xf32, #tpu.memory_space<smem>>
    %mul3A_144 = vector.broadcast %get3A_143 : f32 to vector<32x1024xf32>
    %mul3A_145 = arith.mulf %convert_element_type3A_140, %mul3A_144 : vector<32x1024xf32>
    %add3A_146 = arith.addf %add3A_124, %mul3A_145 : vector<32x1024xf32>
    %get3A_147 = arith.constant 0 : index
    %get3A_148 = arith.constant 7 : index
    %get3A_149 = arith.constant 0 : index
    %get3A_150 = arith.constant 0 : index
    %get3A_151 = vector.load %arg2[%get3A_147, %get3A_148, %get3A_149, %get3A_150] : memref<1x16x32x1024xf32, #tpu.memory_space<vmem>>, vector<1x1x32x1024xf32>
    %get3A_152 = vector.shape_cast %get3A_151 : vector<1x1x32x1024xf32> to vector<32x1024xf32>
    %get3A_153 = arith.constant 0 : index
    %get3A_154 = arith.constant 7 : index
    %get3A_155 = arith.constant 0 : index
    %get3A_156 = vector.load %arg3[%get3A_153, %get3A_154, %get3A_155] : memref<1x16x1024xf32, #tpu.memory_space<vmem>>, vector<1x1x1024xf32>
    %get3A_157 = vector.shape_cast %get3A_156 : vector<1x1x1024xf32> to vector<1024xf32>
    %broadcast_in_dim3A_158 = vector.shape_cast %get3A_157 : vector<1024xf32> to vector<1x1024xf32>
    %sub3A_159 = vector.broadcast %broadcast_in_dim3A_158 : vector<1x1024xf32> to vector<32x1024xf32>
    %sub3A_160 = arith.subf %get3A_152, %sub3A_159 : vector<32x1024xf32>
    %convert_element_type3A_161 = arith.truncf %sub3A_160 : vector<32x1024xf32> to vector<32x1024xbf16>
    %convert_element_type3A_162 = arith.extf %convert_element_type3A_161 : vector<32x1024xbf16> to vector<32x1024xf32>
    %get3A_163 = arith.constant 0 : index
    %get3A_164 = arith.constant 7 : index
    %get3A_165 = memref.load %arg4[%get3A_163, %get3A_164] : memref<1x16xf32, #tpu.memory_space<smem>>
    %mul3A_166 = vector.broadcast %get3A_165 : f32 to vector<32x1024xf32>
    %mul3A_167 = arith.mulf %convert_element_type3A_162, %mul3A_166 : vector<32x1024xf32>
    %add3A_168 = arith.addf %add3A_146, %mul3A_167 : vector<32x1024xf32>
    %get3A_169 = arith.constant 0 : index
    %get3A_170 = arith.constant 8 : index
    %get3A_171 = arith.constant 0 : index
    %get3A_172 = arith.constant 0 : index
    %get3A_173 = vector.load %arg2[%get3A_169, %get3A_170, %get3A_171, %get3A_172] : memref<1x16x32x1024xf32, #tpu.memory_space<vmem>>, vector<1x1x32x1024xf32>
    %get3A_174 = vector.shape_cast %get3A_173 : vector<1x1x32x1024xf32> to vector<32x1024xf32>
    %get3A_175 = arith.constant 0 : index
    %get3A_176 = arith.constant 8 : index
    %get3A_177 = arith.constant 0 : index
    %get3A_178 = vector.load %arg3[%get3A_175, %get3A_176, %get3A_177] : memref<1x16x1024xf32, #tpu.memory_space<vmem>>, vector<1x1x1024xf32>
    %get3A_179 = vector.shape_cast %get3A_178 : vector<1x1x1024xf32> to vector<1024xf32>
    %broadcast_in_dim3A_180 = vector.shape_cast %get3A_179 : vector<1024xf32> to vector<1x1024xf32>
    %sub3A_181 = vector.broadcast %broadcast_in_dim3A_180 : vector<1x1024xf32> to vector<32x1024xf32>
    %sub3A_182 = arith.subf %get3A_174, %sub3A_181 : vector<32x1024xf32>
    %convert_element_type3A_183 = arith.truncf %sub3A_182 : vector<32x1024xf32> to vector<32x1024xbf16>
    %convert_element_type3A_184 = arith.extf %convert_element_type3A_183 : vector<32x1024xbf16> to vector<32x1024xf32>
    %get3A_185 = arith.constant 0 : index
    %get3A_186 = arith.constant 8 : index
    %get3A_187 = memref.load %arg4[%get3A_185, %get3A_186] : memref<1x16xf32, #tpu.memory_space<smem>>
    %mul3A_188 = vector.broadcast %get3A_187 : f32 to vector<32x1024xf32>
    %mul3A_189 = arith.mulf %convert_element_type3A_184, %mul3A_188 : vector<32x1024xf32>
    %add3A_190 = arith.addf %add3A_168, %mul3A_189 : vector<32x1024xf32>
    %get3A_191 = arith.constant 0 : index
    %get3A_192 = arith.constant 9 : index
    %get3A_193 = arith.constant 0 : index
    %get3A_194 = arith.constant 0 : index
    %get3A_195 = vector.load %arg2[%get3A_191, %get3A_192, %get3A_193, %get3A_194] : memref<1x16x32x1024xf32, #tpu.memory_space<vmem>>, vector<1x1x32x1024xf32>
    %get3A_196 = vector.shape_cast %get3A_195 : vector<1x1x32x1024xf32> to vector<32x1024xf32>
    %get3A_197 = arith.constant 0 : index
    %get3A_198 = arith.constant 9 : index
    %get3A_199 = arith.constant 0 : index
    %get3A_200 = vector.load %arg3[%get3A_197, %get3A_198, %get3A_199] : memref<1x16x1024xf32, #tpu.memory_space<vmem>>, vector<1x1x1024xf32>
    %get3A_201 = vector.shape_cast %get3A_200 : vector<1x1x1024xf32> to vector<1024xf32>
    %broadcast_in_dim3A_202 = vector.shape_cast %get3A_201 : vector<1024xf32> to vector<1x1024xf32>
    %sub3A_203 = vector.broadcast %broadcast_in_dim3A_202 : vector<1x1024xf32> to vector<32x1024xf32>
    %sub3A_204 = arith.subf %get3A_196, %sub3A_203 : vector<32x1024xf32>
    %convert_element_type3A_205 = arith.truncf %sub3A_204 : vector<32x1024xf32> to vector<32x1024xbf16>
    %convert_element_type3A_206 = arith.extf %convert_element_type3A_205 : vector<32x1024xbf16> to vector<32x1024xf32>
    %get3A_207 = arith.constant 0 : index
    %get3A_208 = arith.constant 9 : index
    %get3A_209 = memref.load %arg4[%get3A_207, %get3A_208] : memref<1x16xf32, #tpu.memory_space<smem>>
    %mul3A_210 = vector.broadcast %get3A_209 : f32 to vector<32x1024xf32>
    %mul3A_211 = arith.mulf %convert_element_type3A_206, %mul3A_210 : vector<32x1024xf32>
    %add3A_212 = arith.addf %add3A_190, %mul3A_211 : vector<32x1024xf32>
    %get3A_213 = arith.constant 0 : index
    %get3A_214 = arith.constant 10 : index
    %get3A_215 = arith.constant 0 : index
    %get3A_216 = arith.constant 0 : index
    %get3A_217 = vector.load %arg2[%get3A_213, %get3A_214, %get3A_215, %get3A_216] : memref<1x16x32x1024xf32, #tpu.memory_space<vmem>>, vector<1x1x32x1024xf32>
    %get3A_218 = vector.shape_cast %get3A_217 : vector<1x1x32x1024xf32> to vector<32x1024xf32>
    %get3A_219 = arith.constant 0 : index
    %get3A_220 = arith.constant 10 : index
    %get3A_221 = arith.constant 0 : index
    %get3A_222 = vector.load %arg3[%get3A_219, %get3A_220, %get3A_221] : memref<1x16x1024xf32, #tpu.memory_space<vmem>>, vector<1x1x1024xf32>
    %get3A_223 = vector.shape_cast %get3A_222 : vector<1x1x1024xf32> to vector<1024xf32>
    %broadcast_in_dim3A_224 = vector.shape_cast %get3A_223 : vector<1024xf32> to vector<1x1024xf32>
    %sub3A_225 = vector.broadcast %broadcast_in_dim3A_224 : vector<1x1024xf32> to vector<32x1024xf32>
    %sub3A_226 = arith.subf %get3A_218, %sub3A_225 : vector<32x1024xf32>
    %convert_element_type3A_227 = arith.truncf %sub3A_226 : vector<32x1024xf32> to vector<32x1024xbf16>
    %convert_element_type3A_228 = arith.extf %convert_element_type3A_227 : vector<32x1024xbf16> to vector<32x1024xf32>
    %get3A_229 = arith.constant 0 : index
    %get3A_230 = arith.constant 10 : index
    %get3A_231 = memref.load %arg4[%get3A_229, %get3A_230] : memref<1x16xf32, #tpu.memory_space<smem>>
    %mul3A_232 = vector.broadcast %get3A_231 : f32 to vector<32x1024xf32>
    %mul3A_233 = arith.mulf %convert_element_type3A_228, %mul3A_232 : vector<32x1024xf32>
    %add3A_234 = arith.addf %add3A_212, %mul3A_233 : vector<32x1024xf32>
    %get3A_235 = arith.constant 0 : index
    %get3A_236 = arith.constant 11 : index
    %get3A_237 = arith.constant 0 : index
    %get3A_238 = arith.constant 0 : index
    %get3A_239 = vector.load %arg2[%get3A_235, %get3A_236, %get3A_237, %get3A_238] : memref<1x16x32x1024xf32, #tpu.memory_space<vmem>>, vector<1x1x32x1024xf32>
    %get3A_240 = vector.shape_cast %get3A_239 : vector<1x1x32x1024xf32> to vector<32x1024xf32>
    %get3A_241 = arith.constant 0 : index
    %get3A_242 = arith.constant 11 : index
    %get3A_243 = arith.constant 0 : index
    %get3A_244 = vector.load %arg3[%get3A_241, %get3A_242, %get3A_243] : memref<1x16x1024xf32, #tpu.memory_space<vmem>>, vector<1x1x1024xf32>
    %get3A_245 = vector.shape_cast %get3A_244 : vector<1x1x1024xf32> to vector<1024xf32>
    %broadcast_in_dim3A_246 = vector.shape_cast %get3A_245 : vector<1024xf32> to vector<1x1024xf32>
    %sub3A_247 = vector.broadcast %broadcast_in_dim3A_246 : vector<1x1024xf32> to vector<32x1024xf32>
    %sub3A_248 = arith.subf %get3A_240, %sub3A_247 : vector<32x1024xf32>
    %convert_element_type3A_249 = arith.truncf %sub3A_248 : vector<32x1024xf32> to vector<32x1024xbf16>
    %convert_element_type3A_250 = arith.extf %convert_element_type3A_249 : vector<32x1024xbf16> to vector<32x1024xf32>
    %get3A_251 = arith.constant 0 : index
    %get3A_252 = arith.constant 11 : index
    %get3A_253 = memref.load %arg4[%get3A_251, %get3A_252] : memref<1x16xf32, #tpu.memory_space<smem>>
    %mul3A_254 = vector.broadcast %get3A_253 : f32 to vector<32x1024xf32>
    %mul3A_255 = arith.mulf %convert_element_type3A_250, %mul3A_254 : vector<32x1024xf32>
    %add3A_256 = arith.addf %add3A_234, %mul3A_255 : vector<32x1024xf32>
    %get3A_257 = arith.constant 0 : index
    %get3A_258 = arith.constant 12 : index
    %get3A_259 = arith.constant 0 : index
    %get3A_260 = arith.constant 0 : index
    %get3A_261 = vector.load %arg2[%get3A_257, %get3A_258, %get3A_259, %get3A_260] : memref<1x16x32x1024xf32, #tpu.memory_space<vmem>>, vector<1x1x32x1024xf32>
    %get3A_262 = vector.shape_cast %get3A_261 : vector<1x1x32x1024xf32> to vector<32x1024xf32>
    %get3A_263 = arith.constant 0 : index
    %get3A_264 = arith.constant 12 : index
    %get3A_265 = arith.constant 0 : index
    %get3A_266 = vector.load %arg3[%get3A_263, %get3A_264, %get3A_265] : memref<1x16x1024xf32, #tpu.memory_space<vmem>>, vector<1x1x1024xf32>
    %get3A_267 = vector.shape_cast %get3A_266 : vector<1x1x1024xf32> to vector<1024xf32>
    %broadcast_in_dim3A_268 = vector.shape_cast %get3A_267 : vector<1024xf32> to vector<1x1024xf32>
    %sub3A_269 = vector.broadcast %broadcast_in_dim3A_268 : vector<1x1024xf32> to vector<32x1024xf32>
    %sub3A_270 = arith.subf %get3A_262, %sub3A_269 : vector<32x1024xf32>
    %convert_element_type3A_271 = arith.truncf %sub3A_270 : vector<32x1024xf32> to vector<32x1024xbf16>
    %convert_element_type3A_272 = arith.extf %convert_element_type3A_271 : vector<32x1024xbf16> to vector<32x1024xf32>
    %get3A_273 = arith.constant 0 : index
    %get3A_274 = arith.constant 12 : index
    %get3A_275 = memref.load %arg4[%get3A_273, %get3A_274] : memref<1x16xf32, #tpu.memory_space<smem>>
    %mul3A_276 = vector.broadcast %get3A_275 : f32 to vector<32x1024xf32>
    %mul3A_277 = arith.mulf %convert_element_type3A_272, %mul3A_276 : vector<32x1024xf32>
    %add3A_278 = arith.addf %add3A_256, %mul3A_277 : vector<32x1024xf32>
    %get3A_279 = arith.constant 0 : index
    %get3A_280 = arith.constant 13 : index
    %get3A_281 = arith.constant 0 : index
    %get3A_282 = arith.constant 0 : index
    %get3A_283 = vector.load %arg2[%get3A_279, %get3A_280, %get3A_281, %get3A_282] : memref<1x16x32x1024xf32, #tpu.memory_space<vmem>>, vector<1x1x32x1024xf32>
    %get3A_284 = vector.shape_cast %get3A_283 : vector<1x1x32x1024xf32> to vector<32x1024xf32>
    %get3A_285 = arith.constant 0 : index
    %get3A_286 = arith.constant 13 : index
    %get3A_287 = arith.constant 0 : index
    %get3A_288 = vector.load %arg3[%get3A_285, %get3A_286, %get3A_287] : memref<1x16x1024xf32, #tpu.memory_space<vmem>>, vector<1x1x1024xf32>
    %get3A_289 = vector.shape_cast %get3A_288 : vector<1x1x1024xf32> to vector<1024xf32>
    %broadcast_in_dim3A_290 = vector.shape_cast %get3A_289 : vector<1024xf32> to vector<1x1024xf32>
    %sub3A_291 = vector.broadcast %broadcast_in_dim3A_290 : vector<1x1024xf32> to vector<32x1024xf32>
    %sub3A_292 = arith.subf %get3A_284, %sub3A_291 : vector<32x1024xf32>
    %convert_element_type3A_293 = arith.truncf %sub3A_292 : vector<32x1024xf32> to vector<32x1024xbf16>
    %convert_element_type3A_294 = arith.extf %convert_element_type3A_293 : vector<32x1024xbf16> to vector<32x1024xf32>
    %get3A_295 = arith.constant 0 : index
    %get3A_296 = arith.constant 13 : index
    %get3A_297 = memref.load %arg4[%get3A_295, %get3A_296] : memref<1x16xf32, #tpu.memory_space<smem>>
    %mul3A_298 = vector.broadcast %get3A_297 : f32 to vector<32x1024xf32>
    %mul3A_299 = arith.mulf %convert_element_type3A_294, %mul3A_298 : vector<32x1024xf32>
    %add3A_300 = arith.addf %add3A_278, %mul3A_299 : vector<32x1024xf32>
    %get3A_301 = arith.constant 0 : index
    %get3A_302 = arith.constant 14 : index
    %get3A_303 = arith.constant 0 : index
    %get3A_304 = arith.constant 0 : index
    %get3A_305 = vector.load %arg2[%get3A_301, %get3A_302, %get3A_303, %get3A_304] : memref<1x16x32x1024xf32, #tpu.memory_space<vmem>>, vector<1x1x32x1024xf32>
    %get3A_306 = vector.shape_cast %get3A_305 : vector<1x1x32x1024xf32> to vector<32x1024xf32>
    %get3A_307 = arith.constant 0 : index
    %get3A_308 = arith.constant 14 : index
    %get3A_309 = arith.constant 0 : index
    %get3A_310 = vector.load %arg3[%get3A_307, %get3A_308, %get3A_309] : memref<1x16x1024xf32, #tpu.memory_space<vmem>>, vector<1x1x1024xf32>
    %get3A_311 = vector.shape_cast %get3A_310 : vector<1x1x1024xf32> to vector<1024xf32>
    %broadcast_in_dim3A_312 = vector.shape_cast %get3A_311 : vector<1024xf32> to vector<1x1024xf32>
    %sub3A_313 = vector.broadcast %broadcast_in_dim3A_312 : vector<1x1024xf32> to vector<32x1024xf32>
    %sub3A_314 = arith.subf %get3A_306, %sub3A_313 : vector<32x1024xf32>
    %convert_element_type3A_315 = arith.truncf %sub3A_314 : vector<32x1024xf32> to vector<32x1024xbf16>
    %convert_element_type3A_316 = arith.extf %convert_element_type3A_315 : vector<32x1024xbf16> to vector<32x1024xf32>
    %get3A_317 = arith.constant 0 : index
    %get3A_318 = arith.constant 14 : index
    %get3A_319 = memref.load %arg4[%get3A_317, %get3A_318] : memref<1x16xf32, #tpu.memory_space<smem>>
    %mul3A_320 = vector.broadcast %get3A_319 : f32 to vector<32x1024xf32>
    %mul3A_321 = arith.mulf %convert_element_type3A_316, %mul3A_320 : vector<32x1024xf32>
    %add3A_322 = arith.addf %add3A_300, %mul3A_321 : vector<32x1024xf32>
    %get3A_323 = arith.constant 0 : index
    %get3A_324 = arith.constant 15 : index
    %get3A_325 = arith.constant 0 : index
    %get3A_326 = arith.constant 0 : index
    %get3A_327 = vector.load %arg2[%get3A_323, %get3A_324, %get3A_325, %get3A_326] : memref<1x16x32x1024xf32, #tpu.memory_space<vmem>>, vector<1x1x32x1024xf32>
    %get3A_328 = vector.shape_cast %get3A_327 : vector<1x1x32x1024xf32> to vector<32x1024xf32>
    %get3A_329 = arith.constant 0 : index
    %get3A_330 = arith.constant 15 : index
    %get3A_331 = arith.constant 0 : index
    %get3A_332 = vector.load %arg3[%get3A_329, %get3A_330, %get3A_331] : memref<1x16x1024xf32, #tpu.memory_space<vmem>>, vector<1x1x1024xf32>
    %get3A_333 = vector.shape_cast %get3A_332 : vector<1x1x1024xf32> to vector<1024xf32>
    %broadcast_in_dim3A_334 = vector.shape_cast %get3A_333 : vector<1024xf32> to vector<1x1024xf32>
    %sub3A_335 = vector.broadcast %broadcast_in_dim3A_334 : vector<1x1024xf32> to vector<32x1024xf32>
    %sub3A_336 = arith.subf %get3A_328, %sub3A_335 : vector<32x1024xf32>
    %convert_element_type3A_337 = arith.truncf %sub3A_336 : vector<32x1024xf32> to vector<32x1024xbf16>
    %convert_element_type3A_338 = arith.extf %convert_element_type3A_337 : vector<32x1024xbf16> to vector<32x1024xf32>
    %get3A_339 = arith.constant 0 : index
    %get3A_340 = arith.constant 15 : index
    %get3A_341 = memref.load %arg4[%get3A_339, %get3A_340] : memref<1x16xf32, #tpu.memory_space<smem>>
    %mul3A_342 = vector.broadcast %get3A_341 : f32 to vector<32x1024xf32>
    %mul3A_343 = arith.mulf %convert_element_type3A_338, %mul3A_342 : vector<32x1024xf32>
    %add3A_344 = arith.addf %add3A_322, %mul3A_343 : vector<32x1024xf32>
    %reduce_max3A = arith.constant dense<0xFF800000> : vector<1024xf32>
    %reduce_max3A_345 = vector.multi_reduction <maximumf>, %add3A_344, %reduce_max3A [0] : vector<32x1024xf32> to vector<1024xf32>
    %tanh3A = math.tanh %reduce_max3A_345 : vector<1024xf32>
    %mul3A_346 = arith.constant 1.000000e+01 : f32
    %mul3A_347 = vector.broadcast %mul3A_346 : f32 to vector<1024xf32>
    %mul3A_348 = arith.mulf %mul3A_347, %tanh3A : vector<1024xf32>
    %swap3A = arith.constant 0 : index
    %swap3A_349 = arith.constant 0 : index
    %swap3A_350 = arith.constant 0 : index
    %swap3A_351 = vector.load %arg5[%swap3A, %swap3A_349, %swap3A_350] : memref<1x1x1024xf32, #tpu.memory_space<vmem>>, vector<1x1x1024xf32>
    %swap3A_352 = vector.shape_cast %swap3A_351 : vector<1x1x1024xf32> to vector<1024xf32>
    %swap3A_353 = vector.shape_cast %mul3A_348 : vector<1024xf32> to vector<1x1x1024xf32>
    tpu.vector_store %arg5[%swap3A, %swap3A_349, %swap3A_350], %swap3A_353 {strides = array<i32>} : memref<1x1x1024xf32, #tpu.memory_space<vmem>>, vector<1x1x1024xf32>,
    %argmax3A = tpu.reduce_index %add3A_344 {axis = 0 : i32, kind = #tpu.reduction_kind<arg_max>} : vector<32x1024xf32> -> vector<1024xi32>
    %swap3A_354 = arith.constant 0 : index
    %swap3A_355 = arith.constant 0 : index
    %swap3A_356 = arith.constant 0 : index
    %swap3A_357 = vector.load %arg6[%swap3A_354, %swap3A_355, %swap3A_356] : memref<1x1x1024xi32, #tpu.memory_space<vmem>>, vector<1x1x1024xi32>
    %swap3A_358 = vector.shape_cast %swap3A_357 : vector<1x1x1024xi32> to vector<1024xi32>
    %swap3A_359 = vector.shape_cast %argmax3A : vector<1024xi32> to vector<1x1x1024xi32>
    tpu.vector_store %arg6[%swap3A_354, %swap3A_355, %swap3A_356], %swap3A_359 {strides = array<i32>} : memref<1x1x1024xi32, #tpu.memory_space<vmem>>, vector<1x1x1024xi32>,
    return
  }
  func.func @transform_0(%arg0: i32, %arg1: i32) -> (i32, i32, i32, i32) {
    %c0_i32 = arith.constant 0 : i32
    %c0_i32_0 = arith.constant 0 : i32
    %c0_i32_1 = arith.constant 0 : i32
    return %arg0, %c0_i32, %c0_i32_0, %arg1 : i32, i32, i32, i32
  }
  func.func @transform_1(%arg0: i32, %arg1: i32) -> (i32, i32, i32) {
    %c0_i32 = arith.constant 0 : i32
    %c0_i32_0 = arith.constant 0 : i32
    return %arg0, %c0_i32, %arg1 : i32, i32, i32
  }
  func.func @transform_2(%arg0: i32, %arg1: i32) -> (i32, i32) {
    %c0_i32 = arith.constant 0 : i32
    %c0_i32_0 = arith.constant 0 : i32
    %c0_i32_1 = arith.constant 0 : i32
    return %c0_i32, %c0_i32_0 : i32, i32
  }
  func.func @transform_3(%arg0: i32, %arg1: i32) -> (i32, i32, i32) {
    %mul3A = arith.constant 8 : i32
    %mul3A_0 = arith.muli %arg0, %mul3A : i32
    %add3A = arith.addi %mul3A_0, %arg1 : i32
    %c0_i32 = arith.constant 0 : i32
    %c0_i32_1 = arith.constant 0 : i32
    %c0_i32_2 = arith.constant 0 : i32
    return %add3A, %c0_i32, %c0_i32_1 : i32, i32, i32
  }
  func.func @transform_4(%arg0: i32, %arg1: i32) -> (i32, i32, i32) {
    %mul3A = arith.constant 8 : i32
    %mul3A_0 = arith.muli %arg0, %mul3A : i32
    %add3A = arith.addi %mul3A_0, %arg1 : i32
    %c0_i32 = arith.constant 0 : i32
    %c0_i32_1 = arith.constant 0 : i32
    %c0_i32_2 = arith.constant 0 : i32
    return %add3A, %c0_i32, %c0_i32_1 : i32, i32, i32
  }
}

</mosaic_0001>

<sc_bundles>
// kernel: kernel.4.cloned.1.call-start
scs
__scs_entry_jumppad:
0x0: {  	(pc) =	sbr.rel $0x88, $3  }
0x1: {  	(tag) =	ssettag $0x0;
	lr =	simm.s32 $0x1  }
0x2: {  	[smem:$0x3F9D] =	sst lr;
	_ =	strace $0xD0000000  }
0x3: {  	_ = 	snop  }
0x4: {  	_ = 	snop  }
0x5: {  	_ = 	snop  }
0x6: {  	_ = 	snop  }
0x7: {  	_ = 	snop  }
__scs_overlays_trampoline_lowered:
0x8: {  	[smem:$0x3FAC] =	sst s0  }
0x9: {  	[smem:$0x3FAD] =	sst s1  }
0xa: {  	[smem:$0x3FAE] =	sst s2  }
0xb: {  	[smem:$0x3FAF] =	sst s3  }
0xc: {  	[smem:$0x3FB0] =	sst s4  }
0xd: {  	[smem:$0x3FB1] =	sst s5  }
0xe: {  	[smem:$0x3FB2] =	sst s6  }
0xf: {  	[smem:$0x3FB3] =	sst s7  }
0x10: {  	[smem:$0x3FB4] =	sst s8  }
0x11: {  	[smem:$0x3FB5] =	sst s9;
	s0 =	simm.s32 @!p0 $0x0  }
0x12: {  	s1 =	sld [smem:$0x3F9B];
	s0 =	simm.s32 @p0 $0x1  }
0x13: {  	[smem:$0x3FB6] =	sst s0;
	s0 =	simm.s32 @!p1 $0x0  }
0x14: {  	s2 =	sld [smem:$0x3F9A];
	s0 =	simm.s32 @p1 $0x1  }
0x15: {  	[smem:$0x3FB7] =	sst s0;
	s0 =	simm.s32 @!p2 $0x0  }
0x16: {  	s3 =	sld [smem:$0x3FDB];
	s0 =	simm.s32 @p2 $0x1  }
0x17: {  	s4 =	simm.s32 $0x1BF5;
	[smem:$0x3FB9] =	sst s0  }
0x18: {  	s0 =	sld [smem:$0x3F9C];
	_ =	swait.ge [sflag:s4], $0x0  }
0x19: {  	s7 =	sld [smem:$0x3F9D]  }
0x1a: {  	s8 =	sadd.s32 $0xFFFFE003, lr  }
0x1b: {  	s9 =	sadd.s32 $0xFFFFFEF7, lr;
	s5 =	simm.s32 $0xFFFFFFFF;
	p2 =	slt.u32 s8, $0xFFFFF086  }
0x1c: {  	p1 =	slt.u32 s9, $0xF7A;
	s5 =	simm.s32 @!p2 $0x0  }
0x1d: {  	s5 =	simm.s32 @p1 $0x1;
	p0 =	seq.s32 s7, s2  }
0x1e: {  	s7 =	smul.u32 @!p0 $0xF7A, s2;
	p2 =	seq.s32 @!p0 s5, $0x0  }
0x1f: {  	s9 =	smul.u32 $0xF7A, s1;
	s8 =	simm.s32 @!p0 $0x1BF5;
	p2 =	por !p2, p0  }
0x20: {  	[sflag:s8] =	ssyncset.s32 @!p0 $0xFFFFF086;
	s6 =	sadd.s32 @!p0 s3, s7;
	s7 =	simm.s32 @!p0 $0x108  }
0x21: {  	s3 =	sadd.s32 s3, s9;
	s6 =	sadd.s32 @!p0 $0x88, s6;
	s7 =	simm.s32 @p2 $0x1082  }
0x22: {  	[simem:s7], [sflag:s8] =	dma.local @!p0 [hbm:s6], $0xF7A  }
0x23: {  	s9 =	sor.u32 $0xD0000000, s2;
	s6 =	simm.s32 $0x108;
	_ =	swait.ge @!p0 [sflag:s8], $0x0  }
0x24: {  	s3 =	sadd.s32 $0x88, s3;
	s6 =	simm.s32 @!p1 $0x1082;
	[sflag:s4] =	ssyncset.s32 $0xFFFFF086  }
0x25: {  	[simem:s6], [sflag:s4] =	dma.local [hbm:s3], $0xF7A  }
0x26: {  	[smem:$0x3F9D] =	sst s1;
	(tag) =	ssettag s2;
	_ =	strace s9  }
0x27: {  	s1 =	sld [smem:$0x3FAD]  }
0x28: {  	s2 =	sld [smem:$0x3FAE]  }
0x29: {  	s4 =	sld [smem:$0x3FB0]  }
0x2a: {  	p0 =	seq.s32 s5, $0x0;
	s5 =	sld [smem:$0x3FB1]  }
0x2b: {  	s6 =	sld [smem:$0x3FB2]  }
0x2c: {  	s7 =	sld [smem:$0x3FB3]  }
0x2d: {  	s3 =	simm.s32 $0x108;
	s8 =	sld [smem:$0x3FB4]  }
0x2e: {  	s3 =	simm.s32 @!p0 $0x1082;
	s9 =	sld [smem:$0x3FB5]  }
0x2f: {  	lr =	sadd.s32 s0, s3;
	s0 =	sld [smem:$0x3FAC]  }
0x30: {  	s3 =	sld [smem:$0x3FAF]  }
0x31: {  	[smem:$0x3FB8] =	sst s10  }
0x32: {  	s10 =	sld [smem:$0x3FB6];
	_ =	sdelay $0x3  }
0x33: {  	p0 =	seq.s32 s10, $0x1;
	s10 =	sld [smem:$0x3FB8];
	_ =	sdelay $0x3  }
0x34: {  	[smem:$0x3FB8] =	sst s10  }
0x35: {  	s10 =	sld [smem:$0x3FB7];
	_ =	sdelay $0x3  }
0x36: {  	p1 =	seq.s32 s10, $0x1;
	s10 =	sld [smem:$0x3FB8];
	_ =	sdelay $0x3  }
0x37: {  	[smem:$0x3FB8] =	sst s10  }
0x38: {  	s10 =	sld [smem:$0x3FB9]  }
0x39: {  	_ = 	snop;
	(pc) =	sbr.ind lr, $3  }
0x3a: {  	_ = 	snop  }
0x3b: {  	_ = 	snop  }
0x3c: {  	p2 =	seq.s32 s10, $0x1;
	s10 =	sld [smem:$0x3FB8]  }
0x3d: {  	_ =	shalt  }
0x3e: {  	_ =	shalt  }
0x3f: {  	_ =	shalt  }
0x40: {  	_ =	shalt  }
0x41: {  	_ =	shalt  }
0x42: {  	_ =	shalt  }
0x43: {  	_ =	shalt  }
0x44: {  	_ =	shalt  }
0x45: {  	_ =	shalt  }
0x46: {  	_ =	shalt  }
0x47: {  	_ =	shalt  }
0x48: {  	_ =	shalt  }
0x49: {  	_ =	shalt  }
0x4a: {  	_ =	shalt  }
0x4b: {  	_ =	shalt  }
0x4c: {  	_ =	shalt  }
0x4d: {  	_ =	shalt  }
0x4e: {  	_ =	shalt  }
0x4f: {  	_ =	shalt  }
0x50: {  	_ =	shalt  }
0x51: {  	_ =	shalt  }
0x52: {  	_ =	shalt  }
0x53: {  	_ =	shalt  }
0x54: {  	_ =	shalt  }
0x55: {  	_ =	shalt  }
0x56: {  	_ =	shalt  }
0x57: {  	_ =	shalt  }
0x58: {  	_ =	shalt  }
0x59: {  	_ =	shalt  }
0x5a: {  	_ =	shalt  }
0x5b: {  	_ =	shalt  }
0x5c: {  	_ =	shalt  }
0x5d: {  	_ =	shalt  }
0x5e: {  	_ =	shalt  }
0x5f: {  	_ =	shalt  }
0x60: {  	_ =	shalt  }
0x61: {  	_ =	shalt  }
0x62: {  	_ =	shalt  }
0x63: {  	_ =	shalt  }
0x64: {  	_ =	shalt  }
0x65: {  	_ =	shalt  }
0x66: {  	_ =	shalt  }
0x67: {  	_ =	shalt  }
0x68: {  	_ =	shalt  }
0x69: {  	_ =	shalt  }
0x6a: {  	_ =	shalt  }
0x6b: {  	_ =	shalt  }
0x6c: {  	_ =	shalt  }
0x6d: {  	_ =	shalt  }
0x6e: {  	_ =	shalt  }
0x6f: {  	_ =	shalt  }
0x70: {  	_ =	shalt  }
0x71: {  	_ =	shalt  }
0x72: {  	_ =	shalt  }
0x73: {  	_ =	shalt  }
0x74: {  	_ =	shalt  }
0x75: {  	_ =	shalt  }
0x76: {  	_ =	shalt  }
0x77: {  	_ =	shalt  }
0x78: {  	_ =	shalt  }
0x79: {  	_ =	shalt  }
0x7a: {  	_ =	shalt  }
0x7b: {  	_ =	shalt  }
0x7c: {  	_ =	shalt  }
0x7d: {  	_ =	shalt  }
0x7e: {  	_ =	shalt  }
0x7f: {  	_ =	shalt  }
0x80: {  	_ =	shalt  }
0x81: {  	_ =	shalt  }
0x82: {  	_ =	shalt  }
0x83: {  	_ =	shalt  }
0x84: {  	_ =	shalt  }
0x85: {  	_ =	shalt  }
0x86: {  	_ =	shalt  }
0x87: {  	_ =	shalt  }
.Lfunc_end0:
.L_simem_size_0:
called_computation_lowered:
.L_overlay_start_0:
0x88: {  	s2 =	sld [smem:$0x3FD9]  }
0x89: {  	s3 =	sld [smem:$0x3FFE];
	_ =	sdelay $0x1  }
0x8a: {  	s1 =	srdreg.scid  }
0x8b: {  	s0 =	sand.u32 $0x1, s1  }
0x8c: {  	s14 =	sshll.u32 s0, $0xA;
	s2 =	sadd.s32 s3, s2  }
0x8d: {  	s2 =	sadd.s32 s2, s14  }
0x8e: {  	[smem:$0x3FC4] =	sst s2  }
0x8f: {  	_ = 	snop  }
0x90: {  	s2 =	sld [smem:$0x3FD0];
	_ =	sdelay $0x2  }
0x91: {  	s15 =	simm.s32 $0xA;
	s4 =	simm.s32 $0x10  }
0x92: {  	[smem:s4], [sflag:s15] =	dma.local [hbm:s2], $0x1  }
0x93: {  	_ =	swait.eq [sflag:s15], $0x1  }
0x94: {  	[sflag:s15] =	ssyncset.done $0x0  }
0x95: {  	[sflag:s15] =	ssyncadd.s32 $0xFFFFFFFF  }
0x96: {  	s16 =	sld [smem:$0x12];
	(tm) =	ssettm $0x1  }
0x97: {  	s17 =	sld [smem:$0x3FFB];
	_ =	sdelay $0x3  }
0x98: {  	_ =	strace s17  }
0x99: {  	s3 =	sld [smem:$0x3FFC];
	_ =	sdelay $0x3  }
0x9a: {  	_ =	strace s3  }
0x9b: {  	s3 =	sld [smem:$0x3FFD];
	_ =	sdelay $0x3  }
0x9c: {  	_ =	strace s3  }
0x9d: {  	_ =	strace $0x8FFFFFFF  }
0x9e: {  	s18 =	sld [smem:$0x3FDB];
	_ =	sdelay $0x1  }
0x9f: {  	s19 =	simm.s32 $_scs_section_size  }
0xa0: {  	s5 =	simm.s32 $_size__tile_overlayer_lowered;
	s6 =	simm.s32 $_tile_overlayer_lowered  }
0xa1: {  	s22 =	simm.s32 $0x1BFF;
	s21 =	sshll.u32 s6, $0x1;
	s3 =	sadd.s32 s19, s18  }
0xa2: {  	s7 =	simm.s32 $0x0;
	s20 =	sshll.u32 s5, $0x1;
	s5 =	sadd.s32 s21, s3  }
0xa3: {  	[timem:s7], [sflag:s22] =	dma.local [hbm:s5], s20  }
0xa4: {  	_ =	swait.ge [sflag:s22], s20  }
0xa5: {  	s4 =	ssub.s32 $0x0, s20;
	[sflag:s22] =	ssyncset.done $0x0  }
0xa6: {  	[sflag:s22] =	ssyncadd.s32 s4;
	_ =	sdelay $0x1  }
0xa7: {  	s23 =	simm.s32 $0x1B8B  }
0xa8: {  	_ =	swait.ge [sflag:s23], $0x1  }
0xa9: {  	[sflag:s23] =	ssyncset.done $0x0  }
0xaa: {  	s25 =	simm.s32 $0x1B8E;
	s24 =	sld [smem:$0x3FFE];
	[sflag:s23] =	ssyncadd.s32 $0xFFFFFFFF  }
0xab: {  	s26 =	simm.s32 $execute0_lowered;
	[smem:$0x3FD2] =	sst s25  }
0xac: {  	s5 =	sshll.u32 s26, $0x1;
	_ =	strace $0x80000046;
	[dreg:$0x1] =	wrdreg $0xFFFFFFFF  }
0xad: {  	s28 =	simm.s32 $_size_execute0_lowered;
	s3 =	sadd.s32 s3, s5;
	[dreg:$0x0] =	wrdreg $0x0  }
0xae: {  	s5 =	sshll.u32 s28, $0x1;
	[dreg:$0x2] =	wrdreg s3  }
0xaf: {  	[dreg:$0x3] =	wrdreg s5  }
0xb0: {  	[dreg:$0x4] =	wrdreg $0xC0  }
0xb1: {  	_ =	task [dreg:s7], $0x5FFFF  }
0xb2: {  	[dreg:$0x1] =	wrdreg $0xFFFFFFFF  }
0xb3: {  	[dreg:$0x0] =	wrdreg $0x60  }
0xb4: {  	[dreg:$0x2] =	wrdreg s24  }
0xb5: {  	[dreg:$0x3] =	wrdreg s16  }
0xb6: {  	[dreg:$0x4] =	wrdreg $0x9  }
0xb7: {  	_ =	task.clear_ibuf [dreg:s7], $0x5FFFF;
	_ =	strace $0x90000046  }
0xb8: {  	s29 =	simm.s32 $0x9;
	_ =	strace $0x80000048  }
0xb9: {  	_ =	swait.ge [sflag:s29], $0x1  }
0xba: {  	[sflag:s29] =	ssyncadd.s32 $0xFFFFFFFF  }
0xbb: {  	_ =	strace $0x90000048  }
0xbc: {  	_ =	sfence  }
0xbd: {  	s30 =	sld [smem:$0x0];
	_ =	sdelay $0x2  }
0xbe: {  	s31 =	sshll.u32 s1, $0xD;
	s1 =	sshrl.u32 s1, $0x2  }
0xbf: {  	s3 =	sand.u32 $0x4000, s31;
	s1 =	sadd.s32 s1, s30  }
0xc0: {  	s0 =	sor.u32 s3, s0;
	s1 =	sshll.u32 s1, $0x11  }
0xc1: {  	s0 =	sor.u32 s1, s0  }
0xc2: {  	s0 =	sadd.s32 $0x8F2B, s0  }
0xc3: {  	[sflag:s0] =	ssyncadd.remote.s32 $0x1  }
0xc4: {  	_ =	sfence.sel $0xFFFF  }
0xc5: {  	[dreg:$0x0] =	wrdreg $0xFFFFFFFF;
	(pc) =	sbr.abs _section_cstart, $3  }
0xc6: {  	[dreg:$0x1] =	wrdreg $0xFFFFFFFF  }
0xc7: {  	_ =	task.clear_ibuf [dreg:s7], $0x2FFFF;
	_ =	strace $0x9FFFFFFF  }
0xc8: {  	(tm) =	ssettm $0x7FFFFFFF  }
0xc9: {  	_ =	shalt  }
tec
execute0_lowered:
.L_overlay_start_1:
0x0: {  	(tag) =	ssettag $0x1  }
0x1: {  	s1 =	srdreg.scid;
	s3 =	rddreg [dreg:$0x0]  }
0x2: {  	s0 =	stileid.u32;
	s7 =	rddreg [dreg:$0x1]  }
0x3: {  	s2 =	simm.s32 $0x0;
	s11 =	simm.s32 $0xC000;
	s12 =	simm.s32 $0x4000  }
0x4: {  	s13 =	simm.s32 $0x6000;
	s14 =	simm.s32 $0xC800;
	s15 =	simm.s32 $0x2000  }
0x5: {  	s16 =	simm.s32 $0xA000;
	s4 =	sand.u32 $0x1, s1;
	s1 =	rddreg [dreg:$0x2]  }
0x6: {  	s17 =	simm.s32 $0x0;
	s5 =	sshll.u32 s0, $0xB;
	[smem:$0x7FF] =	sst s2  }
0x7: {  	s9 =	sadd.s32 $0x600, s3;
	s6 =	sshll.u32 s4, $0xA;
	s4 =	ssub.s32 $0x2, s4  }
0x8: {  	_ =	strace $0x80000047;
	s6 =	sor.u32 s6, s5;
	s8 =	sshrl.u32 s4, $0x1  }
0x9: {  	s5 =	sand.u32 $0x3C00, s6;
	s8 =	ssub.s32 s4, s8;
	s4 =	sadd.s32 s9, s6  }
0xa: {  	s10 =	sor.u32 $0x8000, s6;
	s5 =	sadd.s32 s5, s3;
	s8 =	smax.u32 s8, $0x1  }
0xb: {  	s3 =	sadd.s32 $0x10600, s5;
	s5 =	sadd.s32 s7, s6;
	s6 =	sadd.s32 s9, s10  }
0xc: {  	v0 =	vimm.s32 $0x0;
	v1 =	vlaneseq.u32;
	s7 =	sadd.s32 s7, s10;
	s9 =	simm.s32 $0x8000;
	s10 =	simm.s32 $0x1  }
.LBB2_1:
0xd: {  	[tilespmem:s9], [sflag:$0x1] =	stream.linear.gather [hbm4b:s3+s2], $0x2000, $0x38;
	[tilespmem:$0xD000] =	vst v63  }
0xe: {  	_ =	swait.ge [sflag:s10], $0x2000  }
0xf: {  	[sflag:s10] =	ssyncset.done $0x0  }
0x10: {  	[sflag:s10] =	ssyncadd.s32 $0xFFFFE000  }
0x11: {  	[tilespmem:s2], [sflag:$0x1] =	stream.linear.gather [hbm4b:s4+s2], $0x2000, $0x38;
	[tilespmem:$0xD000] =	vst v63  }
0x12: {  	_ =	swait.ge [sflag:s10], $0x2000  }
0x13: {  	[sflag:s10] =	ssyncset.done $0x0  }
0x14: {  	s18 =	simm.s32 $0x40;
	s19 =	simm.s32 $0x0;
	[sflag:s10] =	ssyncadd.s32 $0xFFFFE000  }
.LBB2_2:
0x15: {  	p0 =	sne.s32 s18, $0x1FC0;
	[tilespmem:s19+$0xC000] =	vst v0;
	s19 =	smov.u32 s18;
	s18 =	sadd.s32 $0x40, s18  }
.Ltmp0:
0x16: {  	(pc) =	sbr.rel @p0 .LBB2_2-.Ltmp0, $2  }
0x17: {  	_ =	sdelay $0x2  }
0x18: {  	s19 =	sshra.s32 s19, $0x2  }
0x19: {  	[tilespmem:s19+$0xC000] =	vst v0;
	s18 =	simm.s32 $0x0  }
.LBB2_4:
0x1a: {  	s19 =	sshra.s32 s18, $0x2  }
0x1b: {  	v2 =	vld [tilespmem:s19+$0x0];
	_ =	sdelay $0x4  }
0x1c: {  	v3 =	vshra.s32 v2, $0x1F  }
0x1d: {  	v3 =	vor.u32 $0x80000000, v3  }
0x1e: {  	v2 =	vxor.u32 v3, v2  }
0x1f: {  	v3 =	vandn.u32 $0x7FF, v2  }
0x20: {  	(xrf1) =	vunique.msk.u32 $0xffff, v3;
	_ =	sdelay $0xd  }
0x21: {  	_, v4, vm0 =	vpop (xrf1);
	_ =	sdelay $0x3  }
0x22: {  	v2 =	vxor.u32 $0xFFFFFFFF, v2  }
0x23: {  	[tilespmem:s19+$0x0] =	vst v2  }
0x24: {  	[tilespmem:v3+s11+$0x0] =	vst.idx.add.s32.msk vm0, v4  }
0x25: {  	v2 =	vld [tilespmem:s19+$0x10];
	_ =	sdelay $0x4  }
0x26: {  	v3 =	vshra.s32 v2, $0x1F  }
0x27: {  	v3 =	vor.u32 $0x80000000, v3  }
0x28: {  	v2 =	vxor.u32 v3, v2  }
0x29: {  	v3 =	vandn.u32 $0x7FF, v2  }
0x2a: {  	(xrf1) =	vunique.msk.u32 $0xffff, v3;
	_ =	sdelay $0xd  }
0x2b: {  	_, v4, vm0 =	vpop (xrf1)  }
0x2c: {  	p0 =	sne.s32 s18, $0x7F80  }
.Ltmp1:
0x2d: {  	_ = 	snop;
	(pc) =	sbr.rel @p0 .LBB2_4-.Ltmp1, $4  }
0x2e: {  	_ = 	snop  }
0x2f: {  	v2 =	vxor.u32 $0xFFFFFFFF, v2  }
0x30: {  	[tilespmem:s19+$0x10] =	vst v2  }
0x31: {  	s18 =	sadd.s32 $0x80, s18;
	[tilespmem:v3+s11+$0x0] =	vst.idx.add.s32.msk vm0, v4  }
0x32: {  	s18 =	simm.s32 $0x40;
	s19 =	simm.s32 $0x0  }
.LBB2_6:
0x33: {  	p0 =	sne.s32 s18, $0x1FC0;
	[tilespmem:s19+$0xC800] =	vst v0;
	s19 =	smov.u32 s18;
	s18 =	sadd.s32 $0x40, s18  }
.Ltmp2:
0x34: {  	(pc) =	sbr.rel @p0 .LBB2_6-.Ltmp2, $2  }
0x35: {  	_ =	sdelay $0x2  }
0x36: {  	s19 =	sshra.s32 s19, $0x2  }
0x37: {  	[tilespmem:s19+$0xC800] =	vst v0;
	s20 =	simm.s32 $0x0  }
0x38: {  	v2 =	vld [tilespmem:s20+$0xC000];
	_ =	sdelay $0x4  }
0x39: {  	(xrf0) =	vadd.scan.msk.s32 $0xffff, v2;
	_ =	sdelay $0x5  }
0x3a: {  	v3, _, _ =	vpop (xrf0)  }
0x3b: {  	s18 =	simm.s32 $0x0;
	(v2sf) =	vpush v3, $0xF  }
0x3c: {  	v2 =	vsub.s32 s18, v2  }
0x3d: {  	v2 =	vadd.s32 v3, v2  }
0x3e: {  	s19 =	simm.s32 $0x10;
	s21 =	simm.s32 $0x80;
	[tilespmem:s20+$0xC000] =	vst v2;
	s20 =	simm.s32 $0x0  }
.LBB2_8:
0x3f: {  	p0 =	sne.s32 s21, $0x1FC0;
	v2 =	vld [tilespmem:s19+$0xC000];
	_ =	sdelay $0x4  }
0x40: {  	(xrf0) =	vadd.scan.msk.s32 $0xffff, v2;
	_ =	sdelay $0x5  }
.Ltmp3:
0x41: {  	v3, _, _ =	vpop (xrf0);
	s22 =	spop (v2sf);
	(pc) =	sbr.rel @p0 .LBB2_8-.Ltmp3, $4  }
0x42: {  	(v2sf) =	vpush v3, $0xF;
	s20 =	sadd.s32 s20, s22  }
0x43: {  	v2 =	vsub.s32 s20, v2  }
0x44: {  	v2 =	vadd.s32 v3, v2  }
0x45: {  	[tilespmem:s19+$0xC000] =	vst v2;
	s19 =	sshra.s32 s21, $0x2;
	s21 =	sadd.s32 $0x40, s21  }
0x46: {  	v2 =	vld [tilespmem:s19+$0xC000];
	_ =	sdelay $0x4  }
0x47: {  	(xrf0) =	vadd.scan.msk.s32 $0xffff, v2;
	_ =	sdelay $0x5  }
0x48: {  	v3, _, _ =	vpop (xrf0)  }
0x49: {  	(v2sf) =	vpush v3, $0xF;
	_ =	sdelay $0xa  }
0x4a: {  	s21 =	spop (v2sf)  }
0x4b: {  	s20 =	sadd.s32 s20, s21  }
0x4c: {  	v2 =	vsub.s32 s20, v2  }
0x4d: {  	v2 =	vadd.s32 v3, v2  }
0x4e: {  	s20 =	simm.s32 $0x10;
	[tilespmem:s19+$0xC000] =	vst v2;
	s31 =	spop (v2sf)  }
.LBB2_10:
0x4f: {  	v2 =	vld [tilespmem:s20+$0xFFFFFFF0];
	_ =	sdelay $0x4  }
0x50: {  	v3 =	vand.u32 $0x7FF, v2  }
0x51: {  	(xrf1) =	vunique.msk.u32 $0xffff, v3;
	_ =	sdelay $0x1  }
0x52: {  	v4 =	vshrl.u32 v2, $0xB  }
0x53: {  	v4 =	vand.u32 $0x7FF, v4  }
0x54: {  	(xrf1) =	vunique.msk.u32 $0xffff, v4;
	_ =	sdelay $0x5  }
0x55: {  	v5 =	vld.idx.msk [tilespmem:v3+s11+$0x0], $0xffff;
	_ =	sdelay $0x3  }
0x56: {  	_, v6, vm0 =	vpop (xrf1)  }
0x57: {  	v5 =	vadd.s32 v6, v5  }
0x58: {  	v5 =	vadd.s32 $0xFFFFFFFF, v5;
	_ =	sdelay $0x1  }
0x59: {  	_, v7, vm1 =	vpop (xrf1);
	_ =	sdelay $0x2  }
0x5a: {  	[tilespmem:v5+s12+$0x0] =	vst.idx.msk $0xffff, v2;
	v2 =	vor.u32 s18, v1  }
0x5b: {  	[tilespmem:v5+s13+$0x0] =	vst.idx.msk $0xffff, v2  }
0x5c: {  	[tilespmem:v3+s11+$0x0] =	vst.idx.add.s32.msk vm0, v6  }
0x5d: {  	[tilespmem:v4+s14+$0x0] =	vst.idx.add.s32.msk vm1, v7  }
0x5e: {  	v2 =	vld [tilespmem:s20+$0x0];
	_ =	sdelay $0x4  }
0x5f: {  	v3 =	vand.u32 $0x7FF, v2  }
0x60: {  	(xrf1) =	vunique.msk.u32 $0xffff, v3;
	_ =	sdelay $0x1  }
0x61: {  	v63 =	vshrl.u32 v2, $0xB  }
0x62: {  	v4 =	vand.u32 $0x7FF, v63  }
0x63: {  	(xrf1) =	vunique.msk.u32 $0xffff, v4;
	_ =	sdelay $0x5  }
0x64: {  	v5 =	vld.idx.msk [tilespmem:v3+s11+$0x0], $0xffff;
	_ =	sdelay $0x3  }
0x65: {  	_, v6, vm0 =	vpop (xrf1)  }
0x66: {  	v5 =	vadd.s32 v6, v5  }
0x67: {  	v5 =	vadd.s32 $0xFFFFFFFF, v5;
	_ =	sdelay $0x1  }
0x68: {  	_, v7, vm1 =	vpop (xrf1)  }
0x69: {  	p0 =	sne.s32 s18, $0x1FE0  }
.Ltmp4:
0x6a: {  	s19 =	sadd.s32 $0x10, s18;
	(pc) =	sbr.rel @p0 .LBB2_10-.Ltmp4, $4  }
0x6b: {  	[tilespmem:v5+s12+$0x0] =	vst.idx.msk $0xffff, v2;
	v2 =	vor.u32 s19, v1  }
0x6c: {  	[tilespmem:v5+s13+$0x0] =	vst.idx.msk $0xffff, v2  }
0x6d: {  	[tilespmem:v3+s11+$0x0] =	vst.idx.add.s32.msk vm0, v6  }
0x6e: {  	s18 =	sadd.s32 $0x20, s18;
	s20 =	sadd.s32 $0x20, s20;
	s19 =	simm.s32 $0x0;
	[tilespmem:v4+s14+$0x0] =	vst.idx.add.s32.msk vm1, v7  }
0x6f: {  	s18 =	simm.s32 $0x40;
	s20 =	simm.s32 $0x0  }
.LBB2_12:
0x70: {  	p0 =	sne.s32 s18, $0xFC0;
	[tilespmem:s20+$0xC000] =	vst v0;
	s20 =	smov.u32 s18;
	s18 =	sadd.s32 $0x40, s18  }
.Ltmp5:
0x71: {  	(pc) =	sbr.rel @p0 .LBB2_12-.Ltmp5, $2  }
0x72: {  	_ =	sdelay $0x2  }
0x73: {  	s20 =	sshra.s32 s20, $0x2  }
0x74: {  	[tilespmem:s20+$0xC000] =	vst v0;
	s21 =	simm.s32 $0x0  }
0x75: {  	v2 =	vld [tilespmem:s21+$0xC800];
	_ =	sdelay $0x4  }
0x76: {  	(xrf0) =	vadd.scan.msk.s32 $0xffff, v2;
	_ =	sdelay $0x5  }
0x77: {  	v3, _, _ =	vpop (xrf0)  }
0x78: {  	(v2sf) =	vpush v3, $0xF  }
0x79: {  	v2 =	vsub.s32 s19, v2  }
0x7a: {  	v2 =	vadd.s32 v3, v2  }
0x7b: {  	s18 =	simm.s32 $0x10;
	s20 =	simm.s32 $0x80;
	[tilespmem:s21+$0xC800] =	vst v2  }
.LBB2_14:
0x7c: {  	p0 =	sne.s32 s20, $0x1FC0;
	v2 =	vld [tilespmem:s18+$0xC800];
	_ =	sdelay $0x4  }
0x7d: {  	(xrf0) =	vadd.scan.msk.s32 $0xffff, v2;
	_ =	sdelay $0x5  }
.Ltmp6:
0x7e: {  	v3, _, _ =	vpop (xrf0);
	s21 =	spop (v2sf);
	(pc) =	sbr.rel @p0 .LBB2_14-.Ltmp6, $4  }
0x7f: {  	(v2sf) =	vpush v3, $0xF;
	s19 =	sadd.s32 s19, s21  }
0x80: {  	v2 =	vsub.s32 s19, v2  }
0x81: {  	v2 =	vadd.s32 v3, v2  }
0x82: {  	[tilespmem:s18+$0xC800] =	vst v2;
	s18 =	sshra.s32 s20, $0x2;
	s20 =	sadd.s32 $0x40, s20  }
0x83: {  	v2 =	vld [tilespmem:s18+$0xC800];
	_ =	sdelay $0x4  }
0x84: {  	(xrf0) =	vadd.scan.msk.s32 $0xffff, v2;
	_ =	sdelay $0x5  }
0x85: {  	v3, _, _ =	vpop (xrf0)  }
0x86: {  	(v2sf) =	vpush v3, $0xF;
	_ =	sdelay $0xa  }
0x87: {  	s20 =	spop (v2sf)  }
0x88: {  	s19 =	sadd.s32 s19, s20  }
0x89: {  	v2 =	vsub.s32 s19, v2  }
0x8a: {  	v2 =	vadd.s32 v3, v2  }
0x8b: {  	s19 =	simm.s32 $0x0;
	[tilespmem:s18+$0xC800] =	vst v2;
	s18 =	simm.s32 $0x0;
	s31 =	spop (v2sf)  }
.LBB2_16:
0x8c: {  	s20 =	sshra.s32 s19, $0x2  }
0x8d: {  	v2 =	vld [tilespmem:s20+$0x4000];
	_ =	sdelay $0x4  }
0x8e: {  	v3 =	vshrl.u32 v2, $0xB  }
0x8f: {  	v3 =	vand.u32 $0x7FF, v3  }
0x90: {  	(xrf1) =	vunique.msk.u32 $0xffff, v3;
	_ =	sdelay $0x2  }
0x91: {  	v4 =	vshrl.u32 v2, $0x16  }
0x92: {  	(xrf1) =	vunique.msk.u32 $0xffff, v4;
	_ =	sdelay $0x5  }
0x93: {  	v5 =	vld.idx.msk [tilespmem:v3+s14+$0x0], $0xffff;
	_ =	sdelay $0x3  }
0x94: {  	_, v6, vm0 =	vpop (xrf1)  }
0x95: {  	v5 =	vadd.s32 v6, v5  }
0x96: {  	v5 =	vadd.s32 $0xFFFFFFFF, v5  }
0x97: {  	v7 =	vld [tilespmem:s20+$0x6000]  }
0x98: {  	_, v8, vm1 =	vpop (xrf1);
	_ =	sdelay $0x2  }
0x99: {  	[tilespmem:v5+s18+$0x0] =	vst.idx.msk $0xffff, v2  }
0x9a: {  	[tilespmem:v5+s15+$0x0] =	vst.idx.msk $0xffff, v7  }
0x9b: {  	[tilespmem:v3+s14+$0x0] =	vst.idx.add.s32.msk vm0, v6  }
0x9c: {  	[tilespmem:v4+s11+$0x0] =	vst.idx.add.s32.msk vm1, v8  }
0x9d: {  	v2 =	vld [tilespmem:s20+$0x4010];
	_ =	sdelay $0x4  }
0x9e: {  	v3 =	vshrl.u32 v2, $0xB  }
0x9f: {  	v3 =	vand.u32 $0x7FF, v3  }
0xa0: {  	(xrf1) =	vunique.msk.u32 $0xffff, v3;
	_ =	sdelay $0x2  }
0xa1: {  	v63 =	vshrl.u32 v2, $0x16  }
0xa2: {  	(xrf1) =	vunique.msk.u32 $0xffff, v63;
	_ =	sdelay $0x5  }
0xa3: {  	v5 =	vld.idx.msk [tilespmem:v3+s14+$0x0], $0xffff;
	_ =	sdelay $0x3  }
0xa4: {  	_, v6, vm0 =	vpop (xrf1)  }
0xa5: {  	v5 =	vadd.s32 v6, v5  }
0xa6: {  	v5 =	vadd.s32 $0xFFFFFFFF, v5  }
0xa7: {  	v7 =	vld [tilespmem:s20+$0x6010]  }
0xa8: {  	_, v8, vm1 =	vpop (xrf1)  }
0xa9: {  	p0 =	sne.s32 s19, $0x7F80  }
.Ltmp7:
0xaa: {  	_ = 	snop;
	(pc) =	sbr.rel @p0 .LBB2_16-.Ltmp7, $4  }
0xab: {  	[tilespmem:v5+s18+$0x0] =	vst.idx.msk $0xffff, v2  }
0xac: {  	[tilespmem:v5+s15+$0x0] =	vst.idx.msk $0xffff, v7  }
0xad: {  	[tilespmem:v3+s14+$0x0] =	vst.idx.add.s32.msk vm0, v6  }
0xae: {  	s19 =	sadd.s32 $0x80, s19;
	[tilespmem:v63+s11+$0x0] =	vst.idx.add.s32.msk vm1, v8  }
0xaf: {  	s21 =	sshra.s32 s18, $0x2  }
0xb0: {  	v2 =	vld [tilespmem:s21+$0xC000];
	_ =	sdelay $0x4  }
0xb1: {  	(xrf0) =	vadd.scan.msk.s32 $0xffff, v2;
	_ =	sdelay $0x5  }
0xb2: {  	v3, _, _ =	vpop (xrf0)  }
0xb3: {  	(v2sf) =	vpush v3, $0xF  }
0xb4: {  	v2 =	vsub.s32 s18, v2  }
0xb5: {  	s20 =	sadd.s32 $0x40, s18;
	v2 =	vadd.s32 v3, v2  }
0xb6: {  	s19 =	sshra.s32 s20, $0x2;
	s20 =	sadd.s32 $0x40, s20;
	[tilespmem:s21+$0xC000] =	vst v2  }
.LBB2_18:
0xb7: {  	p0 =	sne.s32 s20, $0xFC0;
	v2 =	vld [tilespmem:s19+$0xC000];
	_ =	sdelay $0x4  }
0xb8: {  	(xrf0) =	vadd.scan.msk.s32 $0xffff, v2;
	_ =	sdelay $0x5  }
.Ltmp8:
0xb9: {  	v3, _, _ =	vpop (xrf0);
	s21 =	spop (v2sf);
	(pc) =	sbr.rel @p0 .LBB2_18-.Ltmp8, $4  }
0xba: {  	(v2sf) =	vpush v3, $0xF;
	s18 =	sadd.s32 s18, s21  }
0xbb: {  	v2 =	vsub.s32 s18, v2  }
0xbc: {  	v2 =	vadd.s32 v3, v2  }
0xbd: {  	[tilespmem:s19+$0xC000] =	vst v2;
	s19 =	sshra.s32 s20, $0x2;
	s20 =	sadd.s32 $0x40, s20  }
0xbe: {  	v2 =	vld [tilespmem:s19+$0xC000];
	_ =	sdelay $0x4  }
0xbf: {  	(xrf0) =	vadd.scan.msk.s32 $0xffff, v2;
	_ =	sdelay $0x5  }
0xc0: {  	v3, _, _ =	vpop (xrf0)  }
0xc1: {  	(v2sf) =	vpush v3, $0xF;
	_ =	sdelay $0xa  }
0xc2: {  	s20 =	spop (v2sf)  }
0xc3: {  	s18 =	sadd.s32 s18, s20  }
0xc4: {  	v2 =	vsub.s32 s18, v2  }
0xc5: {  	v2 =	vadd.s32 v3, v2  }
0xc6: {  	s18 =	simm.s32 $0x0;
	[tilespmem:s19+$0xC000] =	vst v2;
	s31 =	spop (v2sf)  }
.LBB2_20:
0xc7: {  	s19 =	sshra.s32 s18, $0x2  }
0xc8: {  	v2 =	vld [tilespmem:s19+$0x0];
	_ =	sdelay $0x4  }
0xc9: {  	v2 =	vshrl.u32 v2, $0x16  }
0xca: {  	(xrf1) =	vunique.msk.u32 $0xffff, v2;
	_ =	sdelay $0x9  }
0xcb: {  	v3 =	vld.idx.msk [tilespmem:v2+s11+$0x0], $0xffff;
	_ =	sdelay $0x3  }
0xcc: {  	_, v4, vm0 =	vpop (xrf1)  }
0xcd: {  	v3 =	vadd.s32 v4, v3  }
0xce: {  	v3 =	vadd.s32 $0xFFFFFFFF, v3;
	_ =	sdelay $0x1  }
0xcf: {  	v5 =	vld [tilespmem:s19+$0x2000];
	_ =	sdelay $0x2  }
0xd0: {  	v3 =	vld.idx.msk [tilespmem:v3+s9+$0x0], $0xffff;
	_ =	sdelay $0x4  }
0xd1: {  	[tilespmem:v5+s16+$0x0] =	vst.idx.msk $0xffff, v3  }
0xd2: {  	[tilespmem:v2+s11+$0x0] =	vst.idx.add.s32.msk vm0, v4  }
0xd3: {  	v2 =	vld [tilespmem:s19+$0x10];
	_ =	sdelay $0x4  }
0xd4: {  	v2 =	vshrl.u32 v2, $0x16  }
0xd5: {  	(xrf1) =	vunique.msk.u32 $0xffff, v2;
	_ =	sdelay $0x9  }
0xd6: {  	v3 =	vld.idx.msk [tilespmem:v2+s11+$0x0], $0xffff;
	_ =	sdelay $0x3  }
0xd7: {  	_, v4, vm0 =	vpop (xrf1)  }
0xd8: {  	v3 =	vadd.s32 v4, v3  }
0xd9: {  	v3 =	vadd.s32 $0xFFFFFFFF, v3;
	_ =	sdelay $0x1  }
0xda: {  	v5 =	vld [tilespmem:s19+$0x2010];
	_ =	sdelay $0x2  }
0xdb: {  	v3 =	vld.idx.msk [tilespmem:v3+s9+$0x0], $0xffff  }
0xdc: {  	p0 =	sne.s32 s18, $0x7F80  }
.Ltmp9:
0xdd: {  	_ = 	snop;
	(pc) =	sbr.rel @p0 .LBB2_20-.Ltmp9, $3  }
0xde: {  	_ =	sdelay $0x1  }
0xdf: {  	[tilespmem:v5+s16+$0x0] =	vst.idx.msk $0xffff, v3  }
0xe0: {  	s18 =	sadd.s32 $0x80, s18;
	[tilespmem:v2+s11+$0x0] =	vst.idx.add.s32.msk vm0, v4  }
0xe1: {  	s19 =	simm.s32 $0x0  }
0xe2: {  	[hbm4b:s5+s19] =	stream.linear.scatter [tilespmem:s16], [sflag:$0x1], $0x2000, $0x38;
	[tilespmem:$0xD000] =	vst v63  }
0xe3: {  	_ =	swait.ge [sflag:s10], $0x2000  }
0xe4: {  	[sflag:s10] =	ssyncset.done $0x0  }
0xe5: {  	[sflag:s10] =	ssyncadd.s32 $0xFFFFE000  }
0xe6: {  	[tilespmem:s19], [sflag:$0x1] =	stream.linear.gather [hbm4b:s6+s19], $0x2000, $0x38;
	[tilespmem:$0xD000] =	vst v63  }
0xe7: {  	_ =	swait.ge [sflag:s10], $0x2000  }
0xe8: {  	[sflag:s10] =	ssyncset.done $0x0  }
0xe9: {  	s18 =	simm.s32 $0x40;
	s20 =	simm.s32 $0x0;
	[sflag:s10] =	ssyncadd.s32 $0xFFFFE000  }
.LBB2_22:
0xea: {  	p0 =	sne.s32 s18, $0x1FC0;
	[tilespmem:s20+$0xC000] =	vst v0;
	s20 =	smov.u32 s18;
	s18 =	sadd.s32 $0x40, s18  }
.Ltmp10:
0xeb: {  	(pc) =	sbr.rel @p0 .LBB2_22-.Ltmp10, $2  }
0xec: {  	_ =	sdelay $0x2  }
0xed: {  	s20 =	sshra.s32 s20, $0x2  }
0xee: {  	[tilespmem:s20+$0xC000] =	vst v0  }
.LBB2_24:
0xef: {  	s18 =	sshra.s32 s19, $0x2  }
0xf0: {  	v2 =	vld [tilespmem:s18+$0x0];
	_ =	sdelay $0x4  }
0xf1: {  	v3 =	vshra.s32 v2, $0x1F  }
0xf2: {  	v3 =	vor.u32 $0x80000000, v3  }
0xf3: {  	v2 =	vxor.u32 v3, v2  }
0xf4: {  	v3 =	vandn.u32 $0x7FF, v2  }
0xf5: {  	(xrf1) =	vunique.msk.u32 $0xffff, v3;
	_ =	sdelay $0xd  }
0xf6: {  	_, v4, vm0 =	vpop (xrf1);
	_ =	sdelay $0x3  }
0xf7: {  	v2 =	vxor.u32 $0xFFFFFFFF, v2  }
0xf8: {  	[tilespmem:s18+$0x0] =	vst v2  }
0xf9: {  	[tilespmem:v3+s11+$0x0] =	vst.idx.add.s32.msk vm0, v4  }
0xfa: {  	v2 =	vld [tilespmem:s18+$0x10];
	_ =	sdelay $0x4  }
0xfb: {  	v3 =	vshra.s32 v2, $0x1F  }
0xfc: {  	v3 =	vor.u32 $0x80000000, v3  }
0xfd: {  	v2 =	vxor.u32 v3, v2  }
0xfe: {  	v3 =	vandn.u32 $0x7FF, v2  }
0xff: {  	(xrf1) =	vunique.msk.u32 $0xffff, v3;
	_ =	sdelay $0xd  }
0x100: {  	_, v4, vm0 =	vpop (xrf1)  }
0x101: {  	p0 =	sne.s32 s19, $0x7F80  }
.Ltmp11:
0x102: {  	_ = 	snop;
	(pc) =	sbr.rel @p0 .LBB2_24-.Ltmp11, $4  }
0x103: {  	_ = 	snop  }
0x104: {  	v2 =	vxor.u32 $0xFFFFFFFF, v2  }
0x105: {  	[tilespmem:s18+$0x10] =	vst v2  }
0x106: {  	s19 =	sadd.s32 $0x80, s19;
	s18 =	simm.s32 $0x0;
	[tilespmem:v3+s11+$0x0] =	vst.idx.add.s32.msk vm0, v4  }
0x107: {  	s19 =	simm.s32 $0x40;
	s20 =	simm.s32 $0x0  }
.LBB2_26:
0x108: {  	p0 =	sne.s32 s19, $0x1FC0;
	[tilespmem:s20+$0xC800] =	vst v0;
	s20 =	smov.u32 s19;
	s19 =	sadd.s32 $0x40, s19  }
.Ltmp12:
0x109: {  	(pc) =	sbr.rel @p0 .LBB2_26-.Ltmp12, $2  }
0x10a: {  	_ =	sdelay $0x2  }
0x10b: {  	s20 =	sshra.s32 s20, $0x2  }
0x10c: {  	[tilespmem:s20+$0xC800] =	vst v0;
	s21 =	simm.s32 $0x0  }
0x10d: {  	v2 =	vld [tilespmem:s21+$0xC000];
	_ =	sdelay $0x4  }
0x10e: {  	(xrf0) =	vadd.scan.msk.s32 $0xffff, v2;
	_ =	sdelay $0x5  }
0x10f: {  	v3, _, _ =	vpop (xrf0)  }
0x110: {  	(v2sf) =	vpush v3, $0xF  }
0x111: {  	v2 =	vsub.s32 s18, v2  }
0x112: {  	v2 =	vadd.s32 v3, v2  }
0x113: {  	s19 =	simm.s32 $0x10;
	s20 =	simm.s32 $0x80;
	[tilespmem:s21+$0xC000] =	vst v2  }
.LBB2_28:
0x114: {  	p0 =	sne.s32 s20, $0x1FC0;
	v2 =	vld [tilespmem:s19+$0xC000];
	_ =	sdelay $0x4  }
0x115: {  	(xrf0) =	vadd.scan.msk.s32 $0xffff, v2;
	_ =	sdelay $0x5  }
.Ltmp13:
0x116: {  	v3, _, _ =	vpop (xrf0);
	s21 =	spop (v2sf);
	(pc) =	sbr.rel @p0 .LBB2_28-.Ltmp13, $4  }
0x117: {  	(v2sf) =	vpush v3, $0xF;
	s18 =	sadd.s32 s18, s21  }
0x118: {  	v2 =	vsub.s32 s18, v2  }
0x119: {  	v2 =	vadd.s32 v3, v2  }
0x11a: {  	[tilespmem:s19+$0xC000] =	vst v2;
	s19 =	sshra.s32 s20, $0x2;
	s20 =	sadd.s32 $0x40, s20  }
0x11b: {  	v2 =	vld [tilespmem:s19+$0xC000];
	_ =	sdelay $0x4  }
0x11c: {  	(xrf0) =	vadd.scan.msk.s32 $0xffff, v2;
	_ =	sdelay $0x5  }
0x11d: {  	v3, _, _ =	vpop (xrf0)  }
0x11e: {  	(v2sf) =	vpush v3, $0xF;
	_ =	sdelay $0xa  }
0x11f: {  	s20 =	spop (v2sf)  }
0x120: {  	s18 =	sadd.s32 s18, s20  }
0x121: {  	v2 =	vsub.s32 s18, v2  }
0x122: {  	v2 =	vadd.s32 v3, v2  }
0x123: {  	s18 =	simm.s32 $0x0;
	[tilespmem:s19+$0xC000] =	vst v2;
	s19 =	simm.s32 $0x10;
	s31 =	spop (v2sf)  }
.LBB2_30:
0x124: {  	v2 =	vld [tilespmem:s19+$0xFFFFFFF0];
	_ =	sdelay $0x4  }
0x125: {  	v3 =	vand.u32 $0x7FF, v2  }
0x126: {  	(xrf1) =	vunique.msk.u32 $0xffff, v3;
	_ =	sdelay $0x1  }
0x127: {  	v4 =	vshrl.u32 v2, $0xB  }
0x128: {  	v4 =	vand.u32 $0x7FF, v4  }
0x129: {  	(xrf1) =	vunique.msk.u32 $0xffff, v4;
	_ =	sdelay $0x5  }
0x12a: {  	v5 =	vld.idx.msk [tilespmem:v3+s11+$0x0], $0xffff;
	_ =	sdelay $0x3  }
0x12b: {  	_, v6, vm0 =	vpop (xrf1)  }
0x12c: {  	v5 =	vadd.s32 v6, v5  }
0x12d: {  	v5 =	vadd.s32 $0xFFFFFFFF, v5;
	_ =	sdelay $0x1  }
0x12e: {  	_, v7, vm1 =	vpop (xrf1);
	_ =	sdelay $0x2  }
0x12f: {  	[tilespmem:v5+s12+$0x0] =	vst.idx.msk $0xffff, v2;
	v2 =	vor.u32 s18, v1  }
0x130: {  	[tilespmem:v5+s13+$0x0] =	vst.idx.msk $0xffff, v2  }
0x131: {  	[tilespmem:v3+s11+$0x0] =	vst.idx.add.s32.msk vm0, v6  }
0x132: {  	[tilespmem:v4+s14+$0x0] =	vst.idx.add.s32.msk vm1, v7  }
0x133: {  	v2 =	vld [tilespmem:s19+$0x0];
	_ =	sdelay $0x4  }
0x134: {  	v3 =	vand.u32 $0x7FF, v2  }
0x135: {  	(xrf1) =	vunique.msk.u32 $0xffff, v3;
	_ =	sdelay $0x1  }
0x136: {  	v63 =	vshrl.u32 v2, $0xB  }
0x137: {  	v4 =	vand.u32 $0x7FF, v63  }
0x138: {  	(xrf1) =	vunique.msk.u32 $0xffff, v4;
	_ =	sdelay $0x5  }
0x139: {  	v5 =	vld.idx.msk [tilespmem:v3+s11+$0x0], $0xffff;
	_ =	sdelay $0x3  }
0x13a: {  	_, v6, vm0 =	vpop (xrf1)  }
0x13b: {  	v5 =	vadd.s32 v6, v5  }
0x13c: {  	v5 =	vadd.s32 $0xFFFFFFFF, v5;
	_ =	sdelay $0x1  }
0x13d: {  	_, v7, vm1 =	vpop (xrf1)  }
0x13e: {  	p0 =	sne.s32 s18, $0x1FE0  }
.Ltmp14:
0x13f: {  	s20 =	sadd.s32 $0x10, s18;
	(pc) =	sbr.rel @p0 .LBB2_30-.Ltmp14, $4  }
0x140: {  	[tilespmem:v5+s12+$0x0] =	vst.idx.msk $0xffff, v2;
	v2 =	vor.u32 s20, v1  }
0x141: {  	[tilespmem:v5+s13+$0x0] =	vst.idx.msk $0xffff, v2  }
0x142: {  	[tilespmem:v3+s11+$0x0] =	vst.idx.add.s32.msk vm0, v6  }
0x143: {  	s18 =	sadd.s32 $0x20, s18;
	s19 =	sadd.s32 $0x20, s19;
	[tilespmem:v4+s14+$0x0] =	vst.idx.add.s32.msk vm1, v7  }
0x144: {  	s18 =	simm.s32 $0x40;
	s19 =	simm.s32 $0x0  }
.LBB2_32:
0x145: {  	p0 =	sne.s32 s18, $0xFC0;
	[tilespmem:s19+$0xC000] =	vst v0;
	s19 =	smov.u32 s18;
	s18 =	sadd.s32 $0x40, s18  }
.Ltmp15:
0x146: {  	(pc) =	sbr.rel @p0 .LBB2_32-.Ltmp15, $2  }
0x147: {  	_ =	sdelay $0x2  }
0x148: {  	s19 =	sshra.s32 s19, $0x2  }
0x149: {  	[tilespmem:s19+$0xC000] =	vst v0;
	s20 =	simm.s32 $0x0  }
0x14a: {  	v2 =	vld [tilespmem:s20+$0xC800];
	_ =	sdelay $0x4  }
0x14b: {  	(xrf0) =	vadd.scan.msk.s32 $0xffff, v2;
	_ =	sdelay $0x5  }
0x14c: {  	v3, _, _ =	vpop (xrf0)  }
0x14d: {  	s19 =	simm.s32 $0x0;
	(v2sf) =	vpush v3, $0xF  }
0x14e: {  	v2 =	vsub.s32 s19, v2  }
0x14f: {  	v2 =	vadd.s32 v3, v2  }
0x150: {  	s18 =	simm.s32 $0x10;
	s21 =	simm.s32 $0x80;
	[tilespmem:s20+$0xC800] =	vst v2;
	s20 =	simm.s32 $0x0  }
.LBB2_34:
0x151: {  	p0 =	sne.s32 s21, $0x1FC0;
	v2 =	vld [tilespmem:s18+$0xC800];
	_ =	sdelay $0x4  }
0x152: {  	(xrf0) =	vadd.scan.msk.s32 $0xffff, v2;
	_ =	sdelay $0x5  }
.Ltmp16:
0x153: {  	v3, _, _ =	vpop (xrf0);
	s22 =	spop (v2sf);
	(pc) =	sbr.rel @p0 .LBB2_34-.Ltmp16, $4  }
0x154: {  	(v2sf) =	vpush v3, $0xF;
	s20 =	sadd.s32 s20, s22  }
0x155: {  	v2 =	vsub.s32 s20, v2  }
0x156: {  	v2 =	vadd.s32 v3, v2  }
0x157: {  	[tilespmem:s18+$0xC800] =	vst v2;
	s18 =	sshra.s32 s21, $0x2;
	s21 =	sadd.s32 $0x40, s21  }
0x158: {  	v2 =	vld [tilespmem:s18+$0xC800];
	_ =	sdelay $0x4  }
0x159: {  	(xrf0) =	vadd.scan.msk.s32 $0xffff, v2;
	_ =	sdelay $0x5  }
0x15a: {  	v3, _, _ =	vpop (xrf0)  }
0x15b: {  	(v2sf) =	vpush v3, $0xF;
	_ =	sdelay $0xa  }
0x15c: {  	s21 =	spop (v2sf)  }
0x15d: {  	s20 =	sadd.s32 s20, s21  }
0x15e: {  	v2 =	vsub.s32 s20, v2  }
0x15f: {  	v2 =	vadd.s32 v3, v2  }
0x160: {  	[tilespmem:s18+$0xC800] =	vst v2;
	s31 =	spop (v2sf)  }
.LBB2_36:
0x161: {  	s20 =	sshra.s32 s19, $0x2  }
0x162: {  	v2 =	vld [tilespmem:s20+$0x4000];
	_ =	sdelay $0x4  }
0x163: {  	v3 =	vshrl.u32 v2, $0xB  }
0x164: {  	v3 =	vand.u32 $0x7FF, v3  }
0x165: {  	(xrf1) =	vunique.msk.u32 $0xffff, v3;
	_ =	sdelay $0x2  }
0x166: {  	v4 =	vshrl.u32 v2, $0x16  }
0x167: {  	(xrf1) =	vunique.msk.u32 $0xffff, v4;
	_ =	sdelay $0x5  }
0x168: {  	v5 =	vld.idx.msk [tilespmem:v3+s14+$0x0], $0xffff;
	_ =	sdelay $0x3  }
0x169: {  	_, v6, vm0 =	vpop (xrf1)  }
0x16a: {  	v5 =	vadd.s32 v6, v5  }
0x16b: {  	v5 =	vadd.s32 $0xFFFFFFFF, v5  }
0x16c: {  	v7 =	vld [tilespmem:s20+$0x6000]  }
0x16d: {  	_, v8, vm1 =	vpop (xrf1);
	_ =	sdelay $0x1  }
0x16e: {  	s18 =	simm.s32 $0x0  }
0x16f: {  	[tilespmem:v5+s18+$0x0] =	vst.idx.msk $0xffff, v2  }
0x170: {  	[tilespmem:v5+s15+$0x0] =	vst.idx.msk $0xffff, v7  }
0x171: {  	[tilespmem:v3+s14+$0x0] =	vst.idx.add.s32.msk vm0, v6  }
0x172: {  	[tilespmem:v4+s11+$0x0] =	vst.idx.add.s32.msk vm1, v8  }
0x173: {  	v2 =	vld [tilespmem:s20+$0x4010];
	_ =	sdelay $0x4  }
0x174: {  	v3 =	vshrl.u32 v2, $0xB  }
0x175: {  	v3 =	vand.u32 $0x7FF, v3  }
0x176: {  	(xrf1) =	vunique.msk.u32 $0xffff, v3;
	_ =	sdelay $0x2  }
0x177: {  	v63 =	vshrl.u32 v2, $0x16  }
0x178: {  	(xrf1) =	vunique.msk.u32 $0xffff, v63;
	_ =	sdelay $0x5  }
0x179: {  	v5 =	vld.idx.msk [tilespmem:v3+s14+$0x0], $0xffff;
	_ =	sdelay $0x3  }
0x17a: {  	_, v6, vm0 =	vpop (xrf1)  }
0x17b: {  	v5 =	vadd.s32 v6, v5  }
0x17c: {  	v5 =	vadd.s32 $0xFFFFFFFF, v5  }
0x17d: {  	v7 =	vld [tilespmem:s20+$0x6010]  }
0x17e: {  	_, v8, vm1 =	vpop (xrf1)  }
0x17f: {  	p0 =	sne.s32 s19, $0x7F80  }
.Ltmp17:
0x180: {  	_ = 	snop;
	(pc) =	sbr.rel @p0 .LBB2_36-.Ltmp17, $4  }
0x181: {  	[tilespmem:v5+s18+$0x0] =	vst.idx.msk $0xffff, v2  }
0x182: {  	[tilespmem:v5+s15+$0x0] =	vst.idx.msk $0xffff, v7  }
0x183: {  	[tilespmem:v3+s14+$0x0] =	vst.idx.add.s32.msk vm0, v6  }
0x184: {  	s19 =	sadd.s32 $0x80, s19;
	[tilespmem:v63+s11+$0x0] =	vst.idx.add.s32.msk vm1, v8  }
0x185: {  	s20 =	sshra.s32 s18, $0x2  }
0x186: {  	v2 =	vld [tilespmem:s20+$0xC000];
	_ =	sdelay $0x4  }
0x187: {  	(xrf0) =	vadd.scan.msk.s32 $0xffff, v2;
	_ =	sdelay $0x5  }
0x188: {  	v3, _, _ =	vpop (xrf0)  }
0x189: {  	(v2sf) =	vpush v3, $0xF  }
0x18a: {  	v2 =	vsub.s32 s18, v2  }
0x18b: {  	s21 =	sadd.s32 $0x40, s18;
	v2 =	vadd.s32 v3, v2  }
0x18c: {  	s19 =	sshra.s32 s21, $0x2;
	s21 =	sadd.s32 $0x40, s21;
	[tilespmem:s20+$0xC000] =	vst v2;
	s20 =	simm.s32 $0x0  }
.LBB2_38:
0x18d: {  	p0 =	sne.s32 s21, $0xFC0;
	v2 =	vld [tilespmem:s19+$0xC000];
	_ =	sdelay $0x4  }
0x18e: {  	(xrf0) =	vadd.scan.msk.s32 $0xffff, v2;
	_ =	sdelay $0x5  }
.Ltmp18:
0x18f: {  	v3, _, _ =	vpop (xrf0);
	s22 =	spop (v2sf);
	(pc) =	sbr.rel @p0 .LBB2_38-.Ltmp18, $4  }
0x190: {  	(v2sf) =	vpush v3, $0xF;
	s20 =	sadd.s32 s20, s22  }
0x191: {  	v2 =	vsub.s32 s20, v2  }
0x192: {  	v2 =	vadd.s32 v3, v2  }
0x193: {  	[tilespmem:s19+$0xC000] =	vst v2;
	s19 =	sshra.s32 s21, $0x2;
	s21 =	sadd.s32 $0x40, s21  }
0x194: {  	v2 =	vld [tilespmem:s19+$0xC000];
	_ =	sdelay $0x4  }
0x195: {  	(xrf0) =	vadd.scan.msk.s32 $0xffff, v2;
	_ =	sdelay $0x5  }
0x196: {  	v3, _, _ =	vpop (xrf0)  }
0x197: {  	(v2sf) =	vpush v3, $0xF;
	_ =	sdelay $0xa  }
0x198: {  	s21 =	spop (v2sf)  }
0x199: {  	s20 =	sadd.s32 s20, s21  }
0x19a: {  	v2 =	vsub.s32 s20, v2  }
0x19b: {  	v2 =	vadd.s32 v3, v2  }
0x19c: {  	[tilespmem:s19+$0xC000] =	vst v2;
	s31 =	spop (v2sf)  }
.LBB2_40:
0x19d: {  	s19 =	sshra.s32 s18, $0x2  }
0x19e: {  	v2 =	vld [tilespmem:s19+$0x0];
	_ =	sdelay $0x4  }
0x19f: {  	v2 =	vshrl.u32 v2, $0x16  }
0x1a0: {  	(xrf1) =	vunique.msk.u32 $0xffff, v2;
	_ =	sdelay $0x9  }
0x1a1: {  	v3 =	vld.idx.msk [tilespmem:v2+s11+$0x0], $0xffff;
	_ =	sdelay $0x3  }
0x1a2: {  	_, v4, vm0 =	vpop (xrf1)  }
0x1a3: {  	v3 =	vadd.s32 v4, v3  }
0x1a4: {  	v3 =	vadd.s32 $0xFFFFFFFF, v3;
	_ =	sdelay $0x1  }
0x1a5: {  	v5 =	vld [tilespmem:s19+$0x2000];
	_ =	sdelay $0x2  }
0x1a6: {  	v3 =	vld.idx.msk [tilespmem:v3+s9+$0x0], $0xffff;
	_ =	sdelay $0x4  }
0x1a7: {  	[tilespmem:v5+s16+$0x0] =	vst.idx.msk $0xffff, v3  }
0x1a8: {  	[tilespmem:v2+s11+$0x0] =	vst.idx.add.s32.msk vm0, v4  }
0x1a9: {  	v2 =	vld [tilespmem:s19+$0x10];
	_ =	sdelay $0x4  }
0x1aa: {  	v2 =	vshrl.u32 v2, $0x16  }
0x1ab: {  	(xrf1) =	vunique.msk.u32 $0xffff, v2;
	_ =	sdelay $0x9  }
0x1ac: {  	v3 =	vld.idx.msk [tilespmem:v2+s11+$0x0], $0xffff;
	_ =	sdelay $0x3  }
0x1ad: {  	_, v4, vm0 =	vpop (xrf1)  }
0x1ae: {  	v3 =	vadd.s32 v4, v3  }
0x1af: {  	v3 =	vadd.s32 $0xFFFFFFFF, v3;
	_ =	sdelay $0x1  }
0x1b0: {  	v5 =	vld [tilespmem:s19+$0x2010];
	_ =	sdelay $0x2  }
0x1b1: {  	v3 =	vld.idx.msk [tilespmem:v3+s9+$0x0], $0xffff  }
0x1b2: {  	p0 =	sne.s32 s18, $0x7F80  }
.Ltmp19:
0x1b3: {  	_ = 	snop;
	(pc) =	sbr.rel @p0 .LBB2_40-.Ltmp19, $3  }
0x1b4: {  	_ =	sdelay $0x1  }
0x1b5: {  	[tilespmem:v5+s16+$0x0] =	vst.idx.msk $0xffff, v3  }
0x1b6: {  	s18 =	sadd.s32 $0x80, s18;
	[tilespmem:v2+s11+$0x0] =	vst.idx.add.s32.msk vm0, v4  }
0x1b7: {  	s17 =	sadd.s32 $0x1, s17  }
0x1b8: {  	p0 =	sne.s32 s17, s8  }
.Ltmp20:
0x1b9: {  	_ = 	snop;
	(pc) =	sbr.rel @p0 .LBB2_1-.Ltmp20, $4  }
0x1ba: {  	[hbm4b:s7+s2] =	stream.linear.scatter [tilespmem:s16], [sflag:$0x1], $0x2000, $0x38;
	[tilespmem:$0xD000] =	vst v63  }
0x1bb: {  	_ =	swait.ge [sflag:s10], $0x2000  }
0x1bc: {  	[sflag:s10] =	ssyncset.done $0x0  }
0x1bd: {  	[sflag:s10] =	ssyncadd.s32 $0xFFFFE000  }
0x1be: {  	_ =	sfence.sel $0x180000  }
0x1bf: {  	[bflag:$0x0] =	sbarrier.arrive $0xFFFF  }
0x1c0: {  	p0 =	sne.s32 s0, $0x0;
	_ =	strace $0x90000047  }
0x1c1: {  	s0 =	sadd.s32 @!p0 $0x100000, s1;
	[bflag:$0x2] =	sbarrier.arrive $0xFFFF  }
0x1c2: {  	[sflag:s0] =	ssyncadd.tile.s32 @!p0 $0x1;
	_ =	shalt  }
.Lfunc_end2:
_tile_overlayer_lowered:
.L_overlay_start_2:
0x1c3: {  	(tag) =	ssettag $0x2  }
0x1c4: {  	s0 =	rddreg [dreg:$0x0];
	s2 =	stileid.u32  }
0x1c5: {  	s1 =	rddreg [dreg:$0x1];
	p0 =	sne.s32 s2, $0x0  }
0x1c6: {  	s3 =	rddreg [dreg:$0x2];
	[bflag:$0x3] =	sbarrier.arrive $0xFFFF;
	s2 =	simm.s32 @!p0 $0x1C01  }
0x1c7: {  	[timem:s3], [sflag:s2] =	dma.local @!p0 [hbm:s0], s1  }
0x1c8: {  	s0 =	simm.s32 @!p0 $0x1  }
0x1c9: {  	_ =	swait.ge @!p0 [sflag:s0], s1  }
0x1ca: {  	s1 =	ssub.s32 @!p0 $0x0, s1;
	[sflag:s0] =	ssyncset.done @!p0 $0x0  }
0x1cb: {  	[sflag:s0] =	ssyncadd.s32 @!p0 s1  }
0x1cc: {  	[bflag:$0x3] =	sbarrier.arrive $0xFFFF  }
0x1cd: {  	_ =	shalt  }

</sc_bundles>
